<compile_context>
chip_gen: v7x
topology: tpu7x:2x2x1
jax: 0.10.2.dev20260603
libtpu: 0.0.44.dev20260713+nightly
codegen_flags: <defaults>
</compile_context>

<pallas_src>
import functools

import jax
import jax.numpy as jnp
from jax import lax
from jax.experimental import pallas as pl
from jax.experimental.pallas import tpu as pltpu
from jax.experimental.pallas import tpu_sc as plsc

N_NODES = 10000
N_EDGES = 320000
D_IN = 128
D_HID = 256
D_OUT = 128

NC = 2
NS = 16
NW = NC * NS
EB = 128
K_BATCH = 80
E_PAD = NW * K_BATCH * EB
N_PAD = 10112
ROWS_PER_TILE = N_PAD // NS
N_DEGPAD = 10240
DEG_PER_TILE = N_DEGPAD // NS


def _mesh():
    return plsc.VectorSubcoreMesh(
        core_axis_name="c", subcore_axis_name="s", num_cores=NC, num_subcores=NS)


def _sc_degree_body(dst_hbm, zeros_hbm, out_hbm, dst_v, ones_v, accum):
    cid = lax.axis_index("c")
    sid = lax.axis_index("s")
    wid = cid * NS + sid
    pltpu.sync_copy(dst_hbm.at[wid], dst_v)
    for j in range(EB // 16):
        ones_v[pl.ds(j * 16, 16)] = jnp.ones((16,), jnp.float32)
    pltpu.sync_copy(zeros_hbm, accum.at[pl.ds(sid * DEG_PER_TILE, DEG_PER_TILE)])
    plsc.subcore_barrier()

    def body(k, carry):
        pltpu.sync_copy(ones_v, accum.at[dst_v.at[k]], add=True)
        return carry

    lax.fori_loop(0, K_BATCH, body, 0)
    plsc.subcore_barrier()
    pltpu.sync_copy(
        accum.at[pl.ds(sid * DEG_PER_TILE, DEG_PER_TILE)],
        out_hbm.at[pl.ds(cid * N_DEGPAD + sid * DEG_PER_TILE, DEG_PER_TILE)],
    )


@functools.cache
def _sc_degree_kernel():
    return pl.kernel(
        _sc_degree_body,
        out_type=jax.ShapeDtypeStruct((NC * N_DEGPAD,), jnp.float32),
        mesh=_mesh(),
        scratch_types=[
            pltpu.VMEM((K_BATCH, EB), jnp.int32),
            pltpu.VMEM((EB,), jnp.float32),
            pltpu.VMEM_SHARED((N_DEGPAD,), jnp.float32),
        ],
    )


def _sc_degree(dst3, zeros_deg):
    return _sc_degree_kernel()(dst3, zeros_deg)




def _sc_segsum_body(y_hbm, src_hbm, dst_hbm, zeros_hbm, out_hbm,
                    src_v, dst_v, buf, accum):
    cid = lax.axis_index("c")
    sid = lax.axis_index("s")
    wid = cid * NS + sid
    pltpu.sync_copy(src_hbm.at[wid], src_v)
    pltpu.sync_copy(dst_hbm.at[wid], dst_v)
    pltpu.sync_copy(zeros_hbm, accum.at[pl.ds(sid * ROWS_PER_TILE, ROWS_PER_TILE)])
    plsc.subcore_barrier()

    def body(k, carry):
        pltpu.sync_copy(y_hbm.at[src_v.at[k]], buf)
        pltpu.sync_copy(buf, accum.at[dst_v.at[k]], add=True)
        return carry

    lax.fori_loop(0, K_BATCH, body, 0)
    plsc.subcore_barrier()
    pltpu.sync_copy(
        accum.at[pl.ds(sid * ROWS_PER_TILE, ROWS_PER_TILE)],
        out_hbm.at[cid, pl.ds(sid * ROWS_PER_TILE, ROWS_PER_TILE)],
    )


@functools.cache
def _sc_segsum_kernel():
    return pl.kernel(
        _sc_segsum_body,
        out_type=jax.ShapeDtypeStruct((NC, N_PAD, 128), jnp.float32),
        mesh=_mesh(),
        scratch_types=[
            pltpu.VMEM((K_BATCH, EB), jnp.int32),
            pltpu.VMEM((K_BATCH, EB), jnp.int32),
            pltpu.VMEM((EB, 128), jnp.float32),
            pltpu.VMEM_SHARED((N_PAD, 128), jnp.float32),
        ],
    )


def _sc_segsum(y, src3, dst3, zeros_feat):
    return _sc_segsum_kernel()(y, src3, dst3, zeros_feat)


_R = 1000


def _dinv_block(deg_ref):
    d = deg_ref[0] + deg_ref[1] + 1.0
    return 1.0 / jnp.sqrt(d)


def _tc_pre_body(x_ref, w_ref, deg_ref, y_ref):
    dinv = _dinv_block(deg_ref)
    y_ref[0] = jnp.dot(x_ref[...], w_ref[...],
                       preferred_element_type=jnp.float32) * dinv


def _tc_pre(x, W1, deg3):
    return pl.pallas_call(
        _tc_pre_body,
        grid=(N_NODES // _R, D_HID // 128),
        in_specs=[
            pl.BlockSpec((_R, D_IN), lambda i, j: (i, 0)),
            pl.BlockSpec((D_IN, 128), lambda i, j: (0, j)),
            pl.BlockSpec((NC, _R, 1), lambda i, j: (0, i, 0)),
        ],
        out_specs=pl.BlockSpec((1, _R, 128), lambda i, j: (j, i, 0)),
        out_shape=jax.ShapeDtypeStruct((D_HID // 128, N_NODES, 128), jnp.float32),
    )(x, W1, deg3)


def _tc_mid_body(s0_ref, s1_ref, y1_ref, deg_ref, b1_ref, w2_ref, y2_ref):
    dinv = _dinv_block(deg_ref)
    ha = jax.nn.relu((s0_ref[0] + s0_ref[1] + y1_ref[0]) * dinv + b1_ref[0, :128][None, :])
    hb = jax.nn.relu((s1_ref[0] + s1_ref[1] + y1_ref[1]) * dinv + b1_ref[0, 128:][None, :])
    y2 = (jnp.dot(ha, w2_ref[:128, :], preferred_element_type=jnp.float32)
          + jnp.dot(hb, w2_ref[128:, :], preferred_element_type=jnp.float32))
    y2_ref[...] = y2 * dinv


def _tc_mid(s1a, s1b, y1, deg3, b1, W2):
    return pl.pallas_call(
        _tc_mid_body,
        grid=(N_NODES // _R,),
        in_specs=[
            pl.BlockSpec((NC, _R, 128), lambda i: (0, i, 0)),
            pl.BlockSpec((NC, _R, 128), lambda i: (0, i, 0)),
            pl.BlockSpec((2, _R, 128), lambda i: (0, i, 0)),
            pl.BlockSpec((NC, _R, 1), lambda i: (0, i, 0)),
            pl.BlockSpec((1, D_HID), lambda i: (0, 0)),
            pl.BlockSpec((D_HID, D_OUT), lambda i: (0, 0)),
        ],
        out_specs=pl.BlockSpec((_R, D_OUT), lambda i: (i, 0)),
        out_shape=jax.ShapeDtypeStruct((N_NODES, D_OUT), jnp.float32),
    )(s1a, s1b, y1, deg3, b1, W2)


def _tc_post_body(s_ref, y2_ref, deg_ref, b2_ref, out_ref):
    dinv = _dinv_block(deg_ref)
    z = (s_ref[0] + s_ref[1] + y2_ref[...]) * dinv + b2_ref[0][None, :]
    m = jnp.max(z, axis=1, keepdims=True)
    e = jnp.exp(z - m)
    out_ref[...] = z - m - jnp.log(jnp.sum(e, axis=1, keepdims=True))


def _tc_post(s2, y2, deg3, b2):
    return pl.pallas_call(
        _tc_post_body,
        grid=(N_NODES // _R,),
        in_specs=[
            pl.BlockSpec((NC, _R, 128), lambda i: (0, i, 0)),
            pl.BlockSpec((_R, D_OUT), lambda i: (i, 0)),
            pl.BlockSpec((NC, _R, 1), lambda i: (0, i, 0)),
            pl.BlockSpec((1, D_OUT), lambda i: (0, 0)),
        ],
        out_specs=pl.BlockSpec((_R, D_OUT), lambda i: (i, 0)),
        out_shape=jax.ShapeDtypeStruct((N_NODES, D_OUT), jnp.float32),
    )(s2, y2, deg3, b2)


def kernel(x, adjacency_matrix, W1, b1, W2, b2):
    src = adjacency_matrix[0].astype(jnp.int32)
    dst = adjacency_matrix[1].astype(jnp.int32)
    pad = E_PAD - N_EDGES
    srcp = jnp.concatenate([src, jnp.zeros((pad,), jnp.int32)])
    dstp = jnp.concatenate([dst, jnp.full((pad,), N_NODES, jnp.int32)])
    dst3 = dstp.reshape(NW, K_BATCH, EB)
    src3 = srcp.reshape(NW, K_BATCH, EB)
    zeros_deg = jnp.zeros((DEG_PER_TILE,), jnp.float32)
    zeros_feat = jnp.zeros((ROWS_PER_TILE, 128), jnp.float32)
    b1r = b1.reshape(1, D_HID)
    b2r = b2.reshape(1, D_OUT)

    deg = _sc_degree(dst3, zeros_deg)
    deg3 = deg.reshape(NC, N_DEGPAD, 1)

    y1 = _tc_pre(x, W1, deg3)
    s1a = _sc_segsum(y1[0], src3, dst3, zeros_feat)
    s1b = _sc_segsum(y1[1], src3, dst3, zeros_feat)

    y2 = _tc_mid(s1a, s1b, y1, deg3, b1r, W2)
    s2 = _sc_segsum(y2, src3, dst3, zeros_feat)

    return _tc_post(s2, y2, deg3, b2r)

# --- scband reference (transcript-rebuilt; emitter-appended) ---
"""Pipeline reference for scband-gnn-84997402788626 (READ-ONLY COPY).

The authoritative reference and input builder live on the scoring server;
editing this copy changes nothing except your own understanding.
"""

import jax, jax.numpy as jnp
import numpy as np

N_NODES = 10000
N_EDGES = 320000
DIM_IN = 128
DIM_HIDDEN = 256
DIM_OUT = 128


def gcn_conv(x, edge_index, W, b):
    # Faithful PyG-style GCNConv: add self-loops, symmetric normalization,
    # linear transform, scatter-add aggregation, bias.
    N = x.shape[0]
    loop = jnp.arange(N, dtype=edge_index.dtype)
    src = jnp.concatenate([edge_index[0], loop])
    dst = jnp.concatenate([edge_index[1], loop])
    deg = jnp.zeros((N,), dtype=x.dtype).at[dst].add(1.0)
    deg_inv_sqrt = jnp.where(deg > 0, 1.0 / jnp.sqrt(deg), 0.0)
    norm = deg_inv_sqrt[src] * deg_inv_sqrt[dst]
    xw = x @ W
    msg = xw[src] * norm[:, None]
    out = jnp.zeros((N, W.shape[1]), dtype=x.dtype).at[dst].add(msg)
    return out + b


def setup_inputs(seed: int = 0) -> dict:
    key = jax.random.key(seed)
    k1, k2, k3, k4, k5 = jax.random.split(key, 5)
    x = jax.random.normal(k1, (N_NODES, DIM_IN), dtype=jnp.float32)
    adjacency_matrix = jax.random.randint(k2, (2, N_EDGES), 0, N_NODES, dtype=jnp.int64)
    s1 = 1.0 / np.sqrt(DIM_IN)
    s2 = 1.0 / np.sqrt(DIM_HIDDEN)
    W1 = jax.random.uniform(k3, (DIM_IN, DIM_HIDDEN), minval=-s1, maxval=s1, dtype=jnp.float32)
    b1 = jnp.zeros((DIM_HIDDEN,), dtype=jnp.float32)
    W2 = jax.random.uniform(k4, (DIM_HIDDEN, DIM_OUT), minval=-s2, maxval=s2, dtype=jnp.float32)
    b2 = jnp.zeros((DIM_OUT,), dtype=jnp.float32)
    return {"x": x, "adjacency_matrix": adjacency_matrix, "W1": W1, "b1": b1, "W2": W2, "b2": b2}


def reference(x, adjacency_matrix, W1, b1, W2, b2):
    h = gcn_conv(x, adjacency_matrix, W1, b1)
    h = jax.nn.relu(h)
    h = gcn_conv(h, adjacency_matrix, W2, b2)
    return jax.nn.log_softmax(h, axis=1)

if __name__ == "__main__":
    import jax
    _d = setup_inputs()
    print(jax.jit(kernel)(*tuple(_d.values())))

</pallas_src>

<mosaic_0001>
#map = affine_map<(d0, d1) -> (0, 0)>
#map1 = affine_map<(d0, d1) -> (0, 0, 0)>
module attributes {stable_mosaic.version = 14 : i64} {
  func.func @_sc_segsum_body(%arg0: i32, %arg1: i32, %arg2: memref<10000x128xf32, #tpu.memory_space<hbm>>, %arg3: memref<32x80x128xi32, #tpu.memory_space<hbm>>, %arg4: memref<32x80x128xi32, #tpu.memory_space<hbm>>, %arg5: memref<632x128xf32, #tpu.memory_space<hbm>>, %arg6: memref<2x10112x128xf32, #tpu.memory_space<hbm>>, %arg7: memref<80x128xi32, #tpu.memory_space<vmem>>, %arg8: memref<80x128xi32, #tpu.memory_space<vmem>>, %arg9: memref<128x128xf32, #tpu.memory_space<vmem>>, %arg10: memref<10112x128xf32, #tpu.memory_space<vmem_shared>>) attributes {dimension_semantics = [#tpu.dimension_semantics<core_parallel>, #tpu.dimension_semantics<subcore_parallel>], iteration_bounds = array<i64: 2, 16>, scalar_prefetch = 0 : i64, scratch_operands = 4 : i64, tpu.core_type = #tpu.core_type<sc_vector_subcore>, window_params = [{transform_indices = #map}, {transform_indices = #map1}, {transform_indices = #map1}, {transform_indices = #map}, {transform_indices = #map1}]} {
    %mul3A = arith.constant 16 : i32
    %mul3A_0 = arith.muli %arg0, %mul3A : i32
    %add3A = arith.addi %mul3A_0, %arg1 : i32
    "tpu.region"() ({
      %run_scoped3A = tpu.sem_alloc : memref<!tpu.dma_semaphore, #tpu.memory_space<semaphore_mem>>
      %dma_start3A = arith.constant 0 : i32
      %dma_start3A_13 = arith.constant 0 : i32
      %dma_start3A_14 = tpu.memref_slice %arg3[%add3A, %dma_start3A, %dma_start3A_13] : memref<32x80x128xi32, #tpu.memory_space<hbm>> -> memref<1x80x128xi32, #tpu.memory_space<hbm>>
      %dma_start3A_15 = tpu.memref_squeeze %dma_start3A_14 : memref<1x80x128xi32, #tpu.memory_space<hbm>> -> memref<80x128xi32, #tpu.memory_space<hbm>>
      %dma_start3A_16 = arith.constant 0 : i32
      %dma_start3A_17 = arith.constant 0 : i32
      %dma_start3A_18 = tpu.memref_slice %arg3[%add3A, %dma_start3A_16, %dma_start3A_17] : memref<32x80x128xi32, #tpu.memory_space<hbm>> -> memref<1x80x128xi32, #tpu.memory_space<hbm>>
      %dma_start3A_19 = tpu.memref_squeeze %dma_start3A_18 : memref<1x80x128xi32, #tpu.memory_space<hbm>> -> memref<80x128xi32, #tpu.memory_space<hbm>>
      tpu.enqueue_dma source(%dma_start3A_19 : memref<80x128xi32, #tpu.memory_space<hbm>>) target(%arg7 : memref<80x128xi32, #tpu.memory_space<vmem>>) target_semaphore(%run_scoped3A : memref<!tpu.dma_semaphore, #tpu.memory_space<semaphore_mem>>)
      %dma_wait3A = arith.constant 0 : i32
      %dma_wait3A_20 = arith.constant 0 : i32
      %dma_wait3A_21 = tpu.memref_slice %arg3[%add3A, %dma_wait3A, %dma_wait3A_20] : memref<32x80x128xi32, #tpu.memory_space<hbm>> -> memref<1x80x128xi32, #tpu.memory_space<hbm>>
      %dma_wait3A_22 = tpu.memref_squeeze %dma_wait3A_21 : memref<1x80x128xi32, #tpu.memory_space<hbm>> -> memref<80x128xi32, #tpu.memory_space<hbm>>
      %dma_wait3A_23 = arith.constant 0 : i32
      %dma_wait3A_24 = arith.constant 0 : i32
      %dma_wait3A_25 = tpu.memref_slice %arg3[%add3A, %dma_wait3A_23, %dma_wait3A_24] : memref<32x80x128xi32, #tpu.memory_space<hbm>> -> memref<1x80x128xi32, #tpu.memory_space<hbm>>
      %dma_wait3A_26 = tpu.memref_squeeze %dma_wait3A_25 : memref<1x80x128xi32, #tpu.memory_space<hbm>> -> memref<80x128xi32, #tpu.memory_space<hbm>>
      tpu.wait_dma2 semaphore(%run_scoped3A : memref<!tpu.dma_semaphore, #tpu.memory_space<semaphore_mem>>) src(%dma_wait3A_26 : memref<80x128xi32, #tpu.memory_space<hbm>>) dst(%arg7 : memref<80x128xi32, #tpu.memory_space<vmem>>)
      tpu.yield
    }) : () -> ()
    "tpu.region"() ({
      %run_scoped3A = tpu.sem_alloc : memref<!tpu.dma_semaphore, #tpu.memory_space<semaphore_mem>>
      %dma_start3A = arith.constant 0 : i32
      %dma_start3A_13 = arith.constant 0 : i32
      %dma_start3A_14 = tpu.memref_slice %arg4[%add3A, %dma_start3A, %dma_start3A_13] : memref<32x80x128xi32, #tpu.memory_space<hbm>> -> memref<1x80x128xi32, #tpu.memory_space<hbm>>
      %dma_start3A_15 = tpu.memref_squeeze %dma_start3A_14 : memref<1x80x128xi32, #tpu.memory_space<hbm>> -> memref<80x128xi32, #tpu.memory_space<hbm>>
      %dma_start3A_16 = arith.constant 0 : i32
      %dma_start3A_17 = arith.constant 0 : i32
      %dma_start3A_18 = tpu.memref_slice %arg4[%add3A, %dma_start3A_16, %dma_start3A_17] : memref<32x80x128xi32, #tpu.memory_space<hbm>> -> memref<1x80x128xi32, #tpu.memory_space<hbm>>
      %dma_start3A_19 = tpu.memref_squeeze %dma_start3A_18 : memref<1x80x128xi32, #tpu.memory_space<hbm>> -> memref<80x128xi32, #tpu.memory_space<hbm>>
      tpu.enqueue_dma source(%dma_start3A_19 : memref<80x128xi32, #tpu.memory_space<hbm>>) target(%arg8 : memref<80x128xi32, #tpu.memory_space<vmem>>) target_semaphore(%run_scoped3A : memref<!tpu.dma_semaphore, #tpu.memory_space<semaphore_mem>>)
      %dma_wait3A = arith.constant 0 : i32
      %dma_wait3A_20 = arith.constant 0 : i32
      %dma_wait3A_21 = tpu.memref_slice %arg4[%add3A, %dma_wait3A, %dma_wait3A_20] : memref<32x80x128xi32, #tpu.memory_space<hbm>> -> memref<1x80x128xi32, #tpu.memory_space<hbm>>
      %dma_wait3A_22 = tpu.memref_squeeze %dma_wait3A_21 : memref<1x80x128xi32, #tpu.memory_space<hbm>> -> memref<80x128xi32, #tpu.memory_space<hbm>>
      %dma_wait3A_23 = arith.constant 0 : i32
      %dma_wait3A_24 = arith.constant 0 : i32
      %dma_wait3A_25 = tpu.memref_slice %arg4[%add3A, %dma_wait3A_23, %dma_wait3A_24] : memref<32x80x128xi32, #tpu.memory_space<hbm>> -> memref<1x80x128xi32, #tpu.memory_space<hbm>>
      %dma_wait3A_26 = tpu.memref_squeeze %dma_wait3A_25 : memref<1x80x128xi32, #tpu.memory_space<hbm>> -> memref<80x128xi32, #tpu.memory_space<hbm>>
      tpu.wait_dma2 semaphore(%run_scoped3A : memref<!tpu.dma_semaphore, #tpu.memory_space<semaphore_mem>>) src(%dma_wait3A_26 : memref<80x128xi32, #tpu.memory_space<hbm>>) dst(%arg8 : memref<80x128xi32, #tpu.memory_space<vmem>>)
      tpu.yield
    }) : () -> ()
    %mul3A_1 = arith.constant 632 : i32
    %mul3A_2 = arith.muli %arg1, %mul3A_1 : i32
    "tpu.region"() ({
      %run_scoped3A = tpu.sem_alloc : memref<!tpu.dma_semaphore, #tpu.memory_space<semaphore_mem>>
      %dma_start3A = arith.constant 0 : i32
      %dma_start3A_13 = tpu.memref_slice %arg10[%mul3A_2, %dma_start3A] : memref<10112x128xf32, #tpu.memory_space<vmem_shared>> -> memref<632x128xf32, #tpu.memory_space<vmem_shared>>
      tpu.enqueue_dma source(%arg5 : memref<632x128xf32, #tpu.memory_space<hbm>>) target(%dma_start3A_13 : memref<632x128xf32, #tpu.memory_space<vmem_shared>>) target_semaphore(%run_scoped3A : memref<!tpu.dma_semaphore, #tpu.memory_space<semaphore_mem>>)
      %dma_wait3A = arith.constant 0 : i32
      %dma_wait3A_14 = tpu.memref_slice %arg10[%mul3A_2, %dma_wait3A] : memref<10112x128xf32, #tpu.memory_space<vmem_shared>> -> memref<632x128xf32, #tpu.memory_space<vmem_shared>>
      tpu.wait_dma2 semaphore(%run_scoped3A : memref<!tpu.dma_semaphore, #tpu.memory_space<semaphore_mem>>) src(%arg5 : memref<632x128xf32, #tpu.memory_space<hbm>>) dst(%dma_wait3A_14 : memref<632x128xf32, #tpu.memory_space<vmem_shared>>)
      tpu.yield
    }) : () -> ()
    %barrier3A = arith.constant 0 : index
    tpu.barrier barrier_id(%barrier3A)
    %scan3A = arith.constant 0 : i32
    %scan3A_3 = arith.constant 0 : i32
    %scan3A_4 = arith.constant 80 : i32
    %scan3A_5 = arith.addi %scan3A_3, %scan3A_4 : i32
    %scan3A_6 = arith.constant 1 : i32
    scf.for %scan3A_13 = %scan3A_3 to %scan3A_5 step %scan3A_6  : i32 {
      "tpu.region"() ({
        %run_scoped3A = tpu.sem_alloc : memref<!tpu.dma_semaphore, #tpu.memory_space<semaphore_mem>>
        %dma_start3A = arith.constant 0 : i32
        %dma_start3A_14 = tpu.memref_slice %arg7[%scan3A_13, %dma_start3A] : memref<80x128xi32, #tpu.memory_space<vmem>> -> memref<1x128xi32, #tpu.memory_space<vmem>>
        %dma_start3A_15 = tpu.memref_squeeze %dma_start3A_14 : memref<1x128xi32, #tpu.memory_space<vmem>> -> memref<128xi32, #tpu.memory_space<vmem>>
        %dma_start3A_16 = arith.constant 0 : i32
        %dma_start3A_17 = arith.constant 0 : i32
        %dma_start3A_18 = tpu.memref_slice %arg2[%dma_start3A_16, %dma_start3A_17] : memref<10000x128xf32, #tpu.memory_space<hbm>> -> memref<10000x128xf32, #tpu.memory_space<hbm>>
        tpu.enqueue_indirect_dma source(%dma_start3A_18 : memref<10000x128xf32, #tpu.memory_space<hbm>>) target(%arg9 : memref<128x128xf32, #tpu.memory_space<vmem>>) offsets(%dma_start3A_15 : memref<128xi32, #tpu.memory_space<vmem>>) semaphore(%run_scoped3A : memref<!tpu.dma_semaphore, #tpu.memory_space<semaphore_mem>>)
        %dma_wait3A = arith.constant 0 : i32
        %dma_wait3A_19 = tpu.memref_slice %arg7[%scan3A_13, %dma_wait3A] : memref<80x128xi32, #tpu.memory_space<vmem>> -> memref<1x128xi32, #tpu.memory_space<vmem>>
        %dma_wait3A_20 = tpu.memref_squeeze %dma_wait3A_19 : memref<1x128xi32, #tpu.memory_space<vmem>> -> memref<128xi32, #tpu.memory_space<vmem>>
        %dma_wait3A_21 = arith.constant 0 : i32
        %dma_wait3A_22 = arith.constant 0 : i32
        %dma_wait3A_23 = tpu.memref_slice %arg2[%dma_wait3A_21, %dma_wait3A_22] : memref<10000x128xf32, #tpu.memory_space<hbm>> -> memref<10000x128xf32, #tpu.memory_space<hbm>>
        tpu.wait_indirect_dma semaphore(%run_scoped3A : memref<!tpu.dma_semaphore, #tpu.memory_space<semaphore_mem>>) src(%dma_wait3A_23 : memref<10000x128xf32, #tpu.memory_space<hbm>>) dst(%arg9 : memref<128x128xf32, #tpu.memory_space<vmem>>)
        tpu.yield
      }) : () -> ()
      "tpu.region"() ({
        %run_scoped3A = tpu.sem_alloc : memref<!tpu.dma_semaphore, #tpu.memory_space<semaphore_mem>>
        %dma_start3A = arith.constant 0 : i32
        %dma_start3A_14 = tpu.memref_slice %arg8[%scan3A_13, %dma_start3A] : memref<80x128xi32, #tpu.memory_space<vmem>> -> memref<1x128xi32, #tpu.memory_space<vmem>>
        %dma_start3A_15 = tpu.memref_squeeze %dma_start3A_14 : memref<1x128xi32, #tpu.memory_space<vmem>> -> memref<128xi32, #tpu.memory_space<vmem>>
        %dma_start3A_16 = arith.constant 0 : i32
        %dma_start3A_17 = arith.constant 0 : i32
        %dma_start3A_18 = tpu.memref_slice %arg10[%dma_start3A_16, %dma_start3A_17] : memref<10112x128xf32, #tpu.memory_space<vmem_shared>> -> memref<10112x128xf32, #tpu.memory_space<vmem_shared>>
        tpu.enqueue_indirect_dma source(%arg9 : memref<128x128xf32, #tpu.memory_space<vmem>>) target(%dma_start3A_18 : memref<10112x128xf32, #tpu.memory_space<vmem_shared>>) offsets(%dma_start3A_15 : memref<128xi32, #tpu.memory_space<vmem>>) semaphore(%run_scoped3A : memref<!tpu.dma_semaphore, #tpu.memory_space<semaphore_mem>>) {add = true}
        %dma_wait3A = arith.constant 0 : i32
        %dma_wait3A_19 = tpu.memref_slice %arg8[%scan3A_13, %dma_wait3A] : memref<80x128xi32, #tpu.memory_space<vmem>> -> memref<1x128xi32, #tpu.memory_space<vmem>>
        %dma_wait3A_20 = tpu.memref_squeeze %dma_wait3A_19 : memref<1x128xi32, #tpu.memory_space<vmem>> -> memref<128xi32, #tpu.memory_space<vmem>>
        %dma_wait3A_21 = arith.constant 0 : i32
        %dma_wait3A_22 = arith.constant 0 : i32
        %dma_wait3A_23 = tpu.memref_slice %arg10[%dma_wait3A_21, %dma_wait3A_22] : memref<10112x128xf32, #tpu.memory_space<vmem_shared>> -> memref<10112x128xf32, #tpu.memory_space<vmem_shared>>
        tpu.wait_indirect_dma semaphore(%run_scoped3A : memref<!tpu.dma_semaphore, #tpu.memory_space<semaphore_mem>>) src(%arg9 : memref<128x128xf32, #tpu.memory_space<vmem>>) dst(%dma_wait3A_23 : memref<10112x128xf32, #tpu.memory_space<vmem_shared>>)
        tpu.yield
      }) : () -> ()
    }
    %scan3A_7 = arith.constant 80 : i32
    %barrier3A_8 = arith.constant 0 : index
    tpu.barrier barrier_id(%barrier3A_8)
    %mul3A_9 = arith.constant 632 : i32
    %mul3A_10 = arith.muli %arg1, %mul3A_9 : i32
    %mul3A_11 = arith.constant 632 : i32
    %mul3A_12 = arith.muli %arg1, %mul3A_11 : i32
    "tpu.region"() ({
      %run_scoped3A = tpu.sem_alloc : memref<!tpu.dma_semaphore, #tpu.memory_space<semaphore_mem>>
      %dma_start3A = arith.constant 0 : i32
      %dma_start3A_13 = tpu.memref_slice %arg6[%arg0, %mul3A_12, %dma_start3A] : memref<2x10112x128xf32, #tpu.memory_space<hbm>> -> memref<1x632x128xf32, #tpu.memory_space<hbm>>
      %dma_start3A_14 = tpu.memref_squeeze %dma_start3A_13 : memref<1x632x128xf32, #tpu.memory_space<hbm>> -> memref<632x128xf32, #tpu.memory_space<hbm>>
      %dma_start3A_15 = arith.constant 0 : i32
      %dma_start3A_16 = tpu.memref_slice %arg10[%mul3A_10, %dma_start3A_15] : memref<10112x128xf32, #tpu.memory_space<vmem_shared>> -> memref<632x128xf32, #tpu.memory_space<vmem_shared>>
      tpu.enqueue_dma source(%dma_start3A_16 : memref<632x128xf32, #tpu.memory_space<vmem_shared>>) target(%dma_start3A_14 : memref<632x128xf32, #tpu.memory_space<hbm>>) target_semaphore(%run_scoped3A : memref<!tpu.dma_semaphore, #tpu.memory_space<semaphore_mem>>)
      %dma_wait3A = arith.constant 0 : i32
      %dma_wait3A_17 = tpu.memref_slice %arg6[%arg0, %mul3A_12, %dma_wait3A] : memref<2x10112x128xf32, #tpu.memory_space<hbm>> -> memref<1x632x128xf32, #tpu.memory_space<hbm>>
      %dma_wait3A_18 = tpu.memref_squeeze %dma_wait3A_17 : memref<1x632x128xf32, #tpu.memory_space<hbm>> -> memref<632x128xf32, #tpu.memory_space<hbm>>
      %dma_wait3A_19 = arith.constant 0 : i32
      %dma_wait3A_20 = tpu.memref_slice %arg10[%mul3A_10, %dma_wait3A_19] : memref<10112x128xf32, #tpu.memory_space<vmem_shared>> -> memref<632x128xf32, #tpu.memory_space<vmem_shared>>
      tpu.wait_dma2 semaphore(%run_scoped3A : memref<!tpu.dma_semaphore, #tpu.memory_space<semaphore_mem>>) src(%dma_wait3A_20 : memref<632x128xf32, #tpu.memory_space<vmem_shared>>) dst(%dma_wait3A_18 : memref<632x128xf32, #tpu.memory_space<hbm>>)
      tpu.yield
    }) : () -> ()
    return
  }
}

#map = affine_map<(d0, d1) -> (0, 0)>
#map1 = affine_map<(d0, d1) -> (0, 0, 0)>
module attributes {stable_mosaic.version = 14 : i64} {
  func.func @_sc_segsum_body(%arg0: i32, %arg1: i32, %arg2: memref<10000x128xf32, #tpu.memory_space<hbm>>, %arg3: memref<32x80x128xi32, #tpu.memory_space<hbm>>, %arg4: memref<32x80x128xi32, #tpu.memory_space<hbm>>, %arg5: memref<632x128xf32, #tpu.memory_space<hbm>>, %arg6: memref<2x10112x128xf32, #tpu.memory_space<hbm>>, %arg7: memref<80x128xi32, #tpu.memory_space<vmem>>, %arg8: memref<80x128xi32, #tpu.memory_space<vmem>>, %arg9: memref<128x128xf32, #tpu.memory_space<vmem>>, %arg10: memref<10112x128xf32, #tpu.memory_space<vmem_shared>>) attributes {dimension_semantics = [#tpu.dimension_semantics<core_parallel>, #tpu.dimension_semantics<subcore_parallel>], iteration_bounds = array<i64: 2, 16>, scalar_prefetch = 0 : i64, scratch_operands = 4 : i64, tpu.core_type = #tpu.core_type<sc_vector_subcore>, window_params = [{transform_indices = #map}, {transform_indices = #map1}, {transform_indices = #map1}, {transform_indices = #map}, {transform_indices = #map1}]} {
    %mul3A = arith.constant 16 : i32
    %mul3A_0 = arith.muli %arg0, %mul3A : i32
    %add3A = arith.addi %mul3A_0, %arg1 : i32
    "tpu.region"() ({
      %run_scoped3A = tpu.sem_alloc : memref<!tpu.dma_semaphore, #tpu.memory_space<semaphore_mem>>
      %dma_start3A = arith.constant 0 : i32
      %dma_start3A_13 = arith.constant 0 : i32
      %dma_start3A_14 = tpu.memref_slice %arg3[%add3A, %dma_start3A, %dma_start3A_13] : memref<32x80x128xi32, #tpu.memory_space<hbm>> -> memref<1x80x128xi32, #tpu.memory_space<hbm>>
      %dma_start3A_15 = tpu.memref_squeeze %dma_start3A_14 : memref<1x80x128xi32, #tpu.memory_space<hbm>> -> memref<80x128xi32, #tpu.memory_space<hbm>>
      %dma_start3A_16 = arith.constant 0 : i32
      %dma_start3A_17 = arith.constant 0 : i32
      %dma_start3A_18 = tpu.memref_slice %arg3[%add3A, %dma_start3A_16, %dma_start3A_17] : memref<32x80x128xi32, #tpu.memory_space<hbm>> -> memref<1x80x128xi32, #tpu.memory_space<hbm>>
      %dma_start3A_19 = tpu.memref_squeeze %dma_start3A_18 : memref<1x80x128xi32, #tpu.memory_space<hbm>> -> memref<80x128xi32, #tpu.memory_space<hbm>>
      tpu.enqueue_dma source(%dma_start3A_19 : memref<80x128xi32, #tpu.memory_space<hbm>>) target(%arg7 : memref<80x128xi32, #tpu.memory_space<vmem>>) target_semaphore(%run_scoped3A : memref<!tpu.dma_semaphore, #tpu.memory_space<semaphore_mem>>)
      %dma_wait3A = arith.constant 0 : i32
      %dma_wait3A_20 = arith.constant 0 : i32
      %dma_wait3A_21 = tpu.memref_slice %arg3[%add3A, %dma_wait3A, %dma_wait3A_20] : memref<32x80x128xi32, #tpu.memory_space<hbm>> -> memref<1x80x128xi32, #tpu.memory_space<hbm>>
      %dma_wait3A_22 = tpu.memref_squeeze %dma_wait3A_21 : memref<1x80x128xi32, #tpu.memory_space<hbm>> -> memref<80x128xi32, #tpu.memory_space<hbm>>
      %dma_wait3A_23 = arith.constant 0 : i32
      %dma_wait3A_24 = arith.constant 0 : i32
      %dma_wait3A_25 = tpu.memref_slice %arg3[%add3A, %dma_wait3A_23, %dma_wait3A_24] : memref<32x80x128xi32, #tpu.memory_space<hbm>> -> memref<1x80x128xi32, #tpu.memory_space<hbm>>
      %dma_wait3A_26 = tpu.memref_squeeze %dma_wait3A_25 : memref<1x80x128xi32, #tpu.memory_space<hbm>> -> memref<80x128xi32, #tpu.memory_space<hbm>>
      tpu.wait_dma2 semaphore(%run_scoped3A : memref<!tpu.dma_semaphore, #tpu.memory_space<semaphore_mem>>) src(%dma_wait3A_26 : memref<80x128xi32, #tpu.memory_space<hbm>>) dst(%arg7 : memref<80x128xi32, #tpu.memory_space<vmem>>)
      tpu.yield
    }) : () -> ()
    "tpu.region"() ({
      %run_scoped3A = tpu.sem_alloc : memref<!tpu.dma_semaphore, #tpu.memory_space<semaphore_mem>>
      %dma_start3A = arith.constant 0 : i32
      %dma_start3A_13 = arith.constant 0 : i32
      %dma_start3A_14 = tpu.memref_slice %arg4[%add3A, %dma_start3A, %dma_start3A_13] : memref<32x80x128xi32, #tpu.memory_space<hbm>> -> memref<1x80x128xi32, #tpu.memory_space<hbm>>
      %dma_start3A_15 = tpu.memref_squeeze %dma_start3A_14 : memref<1x80x128xi32, #tpu.memory_space<hbm>> -> memref<80x128xi32, #tpu.memory_space<hbm>>
      %dma_start3A_16 = arith.constant 0 : i32
      %dma_start3A_17 = arith.constant 0 : i32
      %dma_start3A_18 = tpu.memref_slice %arg4[%add3A, %dma_start3A_16, %dma_start3A_17] : memref<32x80x128xi32, #tpu.memory_space<hbm>> -> memref<1x80x128xi32, #tpu.memory_space<hbm>>
      %dma_start3A_19 = tpu.memref_squeeze %dma_start3A_18 : memref<1x80x128xi32, #tpu.memory_space<hbm>> -> memref<80x128xi32, #tpu.memory_space<hbm>>
      tpu.enqueue_dma source(%dma_start3A_19 : memref<80x128xi32, #tpu.memory_space<hbm>>) target(%arg8 : memref<80x128xi32, #tpu.memory_space<vmem>>) target_semaphore(%run_scoped3A : memref<!tpu.dma_semaphore, #tpu.memory_space<semaphore_mem>>)
      %dma_wait3A = arith.constant 0 : i32
      %dma_wait3A_20 = arith.constant 0 : i32
      %dma_wait3A_21 = tpu.memref_slice %arg4[%add3A, %dma_wait3A, %dma_wait3A_20] : memref<32x80x128xi32, #tpu.memory_space<hbm>> -> memref<1x80x128xi32, #tpu.memory_space<hbm>>
      %dma_wait3A_22 = tpu.memref_squeeze %dma_wait3A_21 : memref<1x80x128xi32, #tpu.memory_space<hbm>> -> memref<80x128xi32, #tpu.memory_space<hbm>>
      %dma_wait3A_23 = arith.constant 0 : i32
      %dma_wait3A_24 = arith.constant 0 : i32
      %dma_wait3A_25 = tpu.memref_slice %arg4[%add3A, %dma_wait3A_23, %dma_wait3A_24] : memref<32x80x128xi32, #tpu.memory_space<hbm>> -> memref<1x80x128xi32, #tpu.memory_space<hbm>>
      %dma_wait3A_26 = tpu.memref_squeeze %dma_wait3A_25 : memref<1x80x128xi32, #tpu.memory_space<hbm>> -> memref<80x128xi32, #tpu.memory_space<hbm>>
      tpu.wait_dma2 semaphore(%run_scoped3A : memref<!tpu.dma_semaphore, #tpu.memory_space<semaphore_mem>>) src(%dma_wait3A_26 : memref<80x128xi32, #tpu.memory_space<hbm>>) dst(%arg8 : memref<80x128xi32, #tpu.memory_space<vmem>>)
      tpu.yield
    }) : () -> ()
    %mul3A_1 = arith.constant 632 : i32
    %mul3A_2 = arith.muli %arg1, %mul3A_1 : i32
    "tpu.region"() ({
      %run_scoped3A = tpu.sem_alloc : memref<!tpu.dma_semaphore, #tpu.memory_space<semaphore_mem>>
      %dma_start3A = arith.constant 0 : i32
      %dma_start3A_13 = tpu.memref_slice %arg10[%mul3A_2, %dma_start3A] : memref<10112x128xf32, #tpu.memory_space<vmem_shared>> -> memref<632x128xf32, #tpu.memory_space<vmem_shared>>
      tpu.enqueue_dma source(%arg5 : memref<632x128xf32, #tpu.memory_space<hbm>>) target(%dma_start3A_13 : memref<632x128xf32, #tpu.memory_space<vmem_shared>>) target_semaphore(%run_scoped3A : memref<!tpu.dma_semaphore, #tpu.memory_space<semaphore_mem>>)
      %dma_wait3A = arith.constant 0 : i32
      %dma_wait3A_14 = tpu.memref_slice %arg10[%mul3A_2, %dma_wait3A] : memref<10112x128xf32, #tpu.memory_space<vmem_shared>> -> memref<632x128xf32, #tpu.memory_space<vmem_shared>>
      tpu.wait_dma2 semaphore(%run_scoped3A : memref<!tpu.dma_semaphore, #tpu.memory_space<semaphore_mem>>) src(%arg5 : memref<632x128xf32, #tpu.memory_space<hbm>>) dst(%dma_wait3A_14 : memref<632x128xf32, #tpu.memory_space<vmem_shared>>)
      tpu.yield
    }) : () -> ()
    %barrier3A = arith.constant 0 : index
    tpu.barrier barrier_id(%barrier3A)
    %scan3A = arith.constant 0 : i32
    %scan3A_3 = arith.constant 0 : i32
    %scan3A_4 = arith.constant 80 : i32
    %scan3A_5 = arith.addi %scan3A_3, %scan3A_4 : i32
    %scan3A_6 = arith.constant 1 : i32
    scf.for %scan3A_13 = %scan3A_3 to %scan3A_5 step %scan3A_6  : i32 {
      "tpu.region"() ({
        %run_scoped3A = tpu.sem_alloc : memref<!tpu.dma_semaphore, #tpu.memory_space<semaphore_mem>>
        %dma_start3A = arith.constant 0 : i32
        %dma_start3A_14 = tpu.memref_slice %arg7[%scan3A_13, %dma_start3A] : memref<80x128xi32, #tpu.memory_space<vmem>> -> memref<1x128xi32, #tpu.memory_space<vmem>>
        %dma_start3A_15 = tpu.memref_squeeze %dma_start3A_14 : memref<1x128xi32, #tpu.memory_space<vmem>> -> memref<128xi32, #tpu.memory_space<vmem>>
        %dma_start3A_16 = arith.constant 0 : i32
        %dma_start3A_17 = arith.constant 0 : i32
        %dma_start3A_18 = tpu.memref_slice %arg2[%dma_start3A_16, %dma_start3A_17] : memref<10000x128xf32, #tpu.memory_space<hbm>> -> memref<10000x128xf32, #tpu.memory_space<hbm>>
        tpu.enqueue_indirect_dma source(%dma_start3A_18 : memref<10000x128xf32, #tpu.memory_space<hbm>>) target(%arg9 : memref<128x128xf32, #tpu.memory_space<vmem>>) offsets(%dma_start3A_15 : memref<128xi32, #tpu.memory_space<vmem>>) semaphore(%run_scoped3A : memref<!tpu.dma_semaphore, #tpu.memory_space<semaphore_mem>>)
        %dma_wait3A = arith.constant 0 : i32
        %dma_wait3A_19 = tpu.memref_slice %arg7[%scan3A_13, %dma_wait3A] : memref<80x128xi32, #tpu.memory_space<vmem>> -> memref<1x128xi32, #tpu.memory_space<vmem>>
        %dma_wait3A_20 = tpu.memref_squeeze %dma_wait3A_19 : memref<1x128xi32, #tpu.memory_space<vmem>> -> memref<128xi32, #tpu.memory_space<vmem>>
        %dma_wait3A_21 = arith.constant 0 : i32
        %dma_wait3A_22 = arith.constant 0 : i32
        %dma_wait3A_23 = tpu.memref_slice %arg2[%dma_wait3A_21, %dma_wait3A_22] : memref<10000x128xf32, #tpu.memory_space<hbm>> -> memref<10000x128xf32, #tpu.memory_space<hbm>>
        tpu.wait_indirect_dma semaphore(%run_scoped3A : memref<!tpu.dma_semaphore, #tpu.memory_space<semaphore_mem>>) src(%dma_wait3A_23 : memref<10000x128xf32, #tpu.memory_space<hbm>>) dst(%arg9 : memref<128x128xf32, #tpu.memory_space<vmem>>)
        tpu.yield
      }) : () -> ()
      "tpu.region"() ({
        %run_scoped3A = tpu.sem_alloc : memref<!tpu.dma_semaphore, #tpu.memory_space<semaphore_mem>>
        %dma_start3A = arith.constant 0 : i32
        %dma_start3A_14 = tpu.memref_slice %arg8[%scan3A_13, %dma_start3A] : memref<80x128xi32, #tpu.memory_space<vmem>> -> memref<1x128xi32, #tpu.memory_space<vmem>>
        %dma_start3A_15 = tpu.memref_squeeze %dma_start3A_14 : memref<1x128xi32, #tpu.memory_space<vmem>> -> memref<128xi32, #tpu.memory_space<vmem>>
        %dma_start3A_16 = arith.constant 0 : i32
        %dma_start3A_17 = arith.constant 0 : i32
        %dma_start3A_18 = tpu.memref_slice %arg10[%dma_start3A_16, %dma_start3A_17] : memref<10112x128xf32, #tpu.memory_space<vmem_shared>> -> memref<10112x128xf32, #tpu.memory_space<vmem_shared>>
        tpu.enqueue_indirect_dma source(%arg9 : memref<128x128xf32, #tpu.memory_space<vmem>>) target(%dma_start3A_18 : memref<10112x128xf32, #tpu.memory_space<vmem_shared>>) offsets(%dma_start3A_15 : memref<128xi32, #tpu.memory_space<vmem>>) semaphore(%run_scoped3A : memref<!tpu.dma_semaphore, #tpu.memory_space<semaphore_mem>>) {add = true}
        %dma_wait3A = arith.constant 0 : i32
        %dma_wait3A_19 = tpu.memref_slice %arg8[%scan3A_13, %dma_wait3A] : memref<80x128xi32, #tpu.memory_space<vmem>> -> memref<1x128xi32, #tpu.memory_space<vmem>>
        %dma_wait3A_20 = tpu.memref_squeeze %dma_wait3A_19 : memref<1x128xi32, #tpu.memory_space<vmem>> -> memref<128xi32, #tpu.memory_space<vmem>>
        %dma_wait3A_21 = arith.constant 0 : i32
        %dma_wait3A_22 = arith.constant 0 : i32
        %dma_wait3A_23 = tpu.memref_slice %arg10[%dma_wait3A_21, %dma_wait3A_22] : memref<10112x128xf32, #tpu.memory_space<vmem_shared>> -> memref<10112x128xf32, #tpu.memory_space<vmem_shared>>
        tpu.wait_indirect_dma semaphore(%run_scoped3A : memref<!tpu.dma_semaphore, #tpu.memory_space<semaphore_mem>>) src(%arg9 : memref<128x128xf32, #tpu.memory_space<vmem>>) dst(%dma_wait3A_23 : memref<10112x128xf32, #tpu.memory_space<vmem_shared>>)
        tpu.yield
      }) : () -> ()
    }
    %scan3A_7 = arith.constant 80 : i32
    %barrier3A_8 = arith.constant 0 : index
    tpu.barrier barrier_id(%barrier3A_8)
    %mul3A_9 = arith.constant 632 : i32
    %mul3A_10 = arith.muli %arg1, %mul3A_9 : i32
    %mul3A_11 = arith.constant 632 : i32
    %mul3A_12 = arith.muli %arg1, %mul3A_11 : i32
    "tpu.region"() ({
      %run_scoped3A = tpu.sem_alloc : memref<!tpu.dma_semaphore, #tpu.memory_space<semaphore_mem>>
      %dma_start3A = arith.constant 0 : i32
      %dma_start3A_13 = tpu.memref_slice %arg6[%arg0, %mul3A_12, %dma_start3A] : memref<2x10112x128xf32, #tpu.memory_space<hbm>> -> memref<1x632x128xf32, #tpu.memory_space<hbm>>
      %dma_start3A_14 = tpu.memref_squeeze %dma_start3A_13 : memref<1x632x128xf32, #tpu.memory_space<hbm>> -> memref<632x128xf32, #tpu.memory_space<hbm>>
      %dma_start3A_15 = arith.constant 0 : i32
      %dma_start3A_16 = tpu.memref_slice %arg10[%mul3A_10, %dma_start3A_15] : memref<10112x128xf32, #tpu.memory_space<vmem_shared>> -> memref<632x128xf32, #tpu.memory_space<vmem_shared>>
      tpu.enqueue_dma source(%dma_start3A_16 : memref<632x128xf32, #tpu.memory_space<vmem_shared>>) target(%dma_start3A_14 : memref<632x128xf32, #tpu.memory_space<hbm>>) target_semaphore(%run_scoped3A : memref<!tpu.dma_semaphore, #tpu.memory_space<semaphore_mem>>)
      %dma_wait3A = arith.constant 0 : i32
      %dma_wait3A_17 = tpu.memref_slice %arg6[%arg0, %mul3A_12, %dma_wait3A] : memref<2x10112x128xf32, #tpu.memory_space<hbm>> -> memref<1x632x128xf32, #tpu.memory_space<hbm>>
      %dma_wait3A_18 = tpu.memref_squeeze %dma_wait3A_17 : memref<1x632x128xf32, #tpu.memory_space<hbm>> -> memref<632x128xf32, #tpu.memory_space<hbm>>
      %dma_wait3A_19 = arith.constant 0 : i32
      %dma_wait3A_20 = tpu.memref_slice %arg10[%mul3A_10, %dma_wait3A_19] : memref<10112x128xf32, #tpu.memory_space<vmem_shared>> -> memref<632x128xf32, #tpu.memory_space<vmem_shared>>
      tpu.wait_dma2 semaphore(%run_scoped3A : memref<!tpu.dma_semaphore, #tpu.memory_space<semaphore_mem>>) src(%dma_wait3A_20 : memref<632x128xf32, #tpu.memory_space<vmem_shared>>) dst(%dma_wait3A_18 : memref<632x128xf32, #tpu.memory_space<hbm>>)
      tpu.yield
    }) : () -> ()
    return
  }
}

#map = affine_map<(d0, d1) -> (0, 0, 0)>
#map1 = affine_map<(d0, d1) -> (0)>
module attributes {stable_mosaic.version = 14 : i64} {
  func.func @_sc_degree_body(%arg0: i32, %arg1: i32, %arg2: memref<32x80x128xi32, #tpu.memory_space<hbm>>, %arg3: memref<640xf32, #tpu.memory_space<hbm>>, %arg4: memref<20480xf32, #tpu.memory_space<hbm>>, %arg5: memref<80x128xi32, #tpu.memory_space<vmem>>, %arg6: memref<128xf32, #tpu.memory_space<vmem>>, %arg7: memref<10240xf32, #tpu.memory_space<vmem_shared>>) attributes {dimension_semantics = [#tpu.dimension_semantics<core_parallel>, #tpu.dimension_semantics<subcore_parallel>], iteration_bounds = array<i64: 2, 16>, scalar_prefetch = 0 : i64, scratch_operands = 3 : i64, tpu.core_type = #tpu.core_type<sc_vector_subcore>, window_params = [{transform_indices = #map}, {transform_indices = #map1}, {transform_indices = #map1}]} {
    %mul3A = arith.constant 16 : i32
    %mul3A_0 = arith.muli %arg0, %mul3A : i32
    %add3A = arith.addi %mul3A_0, %arg1 : i32
    "tpu.region"() ({
      %run_scoped3A = tpu.sem_alloc : memref<!tpu.dma_semaphore, #tpu.memory_space<semaphore_mem>>
      %dma_start3A = arith.constant 0 : i32
      %dma_start3A_62 = arith.constant 0 : i32
      %dma_start3A_63 = tpu.memref_slice %arg2[%add3A, %dma_start3A, %dma_start3A_62] : memref<32x80x128xi32, #tpu.memory_space<hbm>> -> memref<1x80x128xi32, #tpu.memory_space<hbm>>
      %dma_start3A_64 = tpu.memref_squeeze %dma_start3A_63 : memref<1x80x128xi32, #tpu.memory_space<hbm>> -> memref<80x128xi32, #tpu.memory_space<hbm>>
      %dma_start3A_65 = arith.constant 0 : i32
      %dma_start3A_66 = arith.constant 0 : i32
      %dma_start3A_67 = tpu.memref_slice %arg2[%add3A, %dma_start3A_65, %dma_start3A_66] : memref<32x80x128xi32, #tpu.memory_space<hbm>> -> memref<1x80x128xi32, #tpu.memory_space<hbm>>
      %dma_start3A_68 = tpu.memref_squeeze %dma_start3A_67 : memref<1x80x128xi32, #tpu.memory_space<hbm>> -> memref<80x128xi32, #tpu.memory_space<hbm>>
      tpu.enqueue_dma source(%dma_start3A_68 : memref<80x128xi32, #tpu.memory_space<hbm>>) target(%arg5 : memref<80x128xi32, #tpu.memory_space<vmem>>) target_semaphore(%run_scoped3A : memref<!tpu.dma_semaphore, #tpu.memory_space<semaphore_mem>>)
      %dma_wait3A = arith.constant 0 : i32
      %dma_wait3A_69 = arith.constant 0 : i32
      %dma_wait3A_70 = tpu.memref_slice %arg2[%add3A, %dma_wait3A, %dma_wait3A_69] : memref<32x80x128xi32, #tpu.memory_space<hbm>> -> memref<1x80x128xi32, #tpu.memory_space<hbm>>
      %dma_wait3A_71 = tpu.memref_squeeze %dma_wait3A_70 : memref<1x80x128xi32, #tpu.memory_space<hbm>> -> memref<80x128xi32, #tpu.memory_space<hbm>>
      %dma_wait3A_72 = arith.constant 0 : i32
      %dma_wait3A_73 = arith.constant 0 : i32
      %dma_wait3A_74 = tpu.memref_slice %arg2[%add3A, %dma_wait3A_72, %dma_wait3A_73] : memref<32x80x128xi32, #tpu.memory_space<hbm>> -> memref<1x80x128xi32, #tpu.memory_space<hbm>>
      %dma_wait3A_75 = tpu.memref_squeeze %dma_wait3A_74 : memref<1x80x128xi32, #tpu.memory_space<hbm>> -> memref<80x128xi32, #tpu.memory_space<hbm>>
      tpu.wait_dma2 semaphore(%run_scoped3A : memref<!tpu.dma_semaphore, #tpu.memory_space<semaphore_mem>>) src(%dma_wait3A_75 : memref<80x128xi32, #tpu.memory_space<hbm>>) dst(%arg5 : memref<80x128xi32, #tpu.memory_space<vmem>>)
      tpu.yield
    }) : () -> ()
    %broadcast_in_dim3A = arith.constant 1.000000e+00 : f32
    %broadcast_in_dim3A_1 = vector.broadcast %broadcast_in_dim3A : f32 to vector<16xf32>
    %swap3A = arith.constant 0 : index
    %swap3A_2 = tpu.vector_load %arg6[%swap3A] {strides = array<i32>} : memref<128xf32, #tpu.memory_space<vmem>>, vector<16xf32>,
    %swap3A_3 = vector.shape_cast %swap3A_2 : vector<16xf32> to vector<16xf32>
    %swap3A_4 = vector.shape_cast %broadcast_in_dim3A_1 : vector<16xf32> to vector<16xf32>
    tpu.vector_store %arg6[%swap3A], %swap3A_4 {strides = array<i32>} : memref<128xf32, #tpu.memory_space<vmem>>, vector<16xf32>,
    %broadcast_in_dim3A_5 = arith.constant 1.000000e+00 : f32
    %broadcast_in_dim3A_6 = vector.broadcast %broadcast_in_dim3A_5 : f32 to vector<16xf32>
    %swap3A_7 = arith.constant 16 : index
    %swap3A_8 = tpu.vector_load %arg6[%swap3A_7] {strides = array<i32>} : memref<128xf32, #tpu.memory_space<vmem>>, vector<16xf32>,
    %swap3A_9 = vector.shape_cast %swap3A_8 : vector<16xf32> to vector<16xf32>
    %swap3A_10 = vector.shape_cast %broadcast_in_dim3A_6 : vector<16xf32> to vector<16xf32>
    tpu.vector_store %arg6[%swap3A_7], %swap3A_10 {strides = array<i32>} : memref<128xf32, #tpu.memory_space<vmem>>, vector<16xf32>,
    %broadcast_in_dim3A_11 = arith.constant 1.000000e+00 : f32
    %broadcast_in_dim3A_12 = vector.broadcast %broadcast_in_dim3A_11 : f32 to vector<16xf32>
    %swap3A_13 = arith.constant 32 : index
    %swap3A_14 = tpu.vector_load %arg6[%swap3A_13] {strides = array<i32>} : memref<128xf32, #tpu.memory_space<vmem>>, vector<16xf32>,
    %swap3A_15 = vector.shape_cast %swap3A_14 : vector<16xf32> to vector<16xf32>
    %swap3A_16 = vector.shape_cast %broadcast_in_dim3A_12 : vector<16xf32> to vector<16xf32>
    tpu.vector_store %arg6[%swap3A_13], %swap3A_16 {strides = array<i32>} : memref<128xf32, #tpu.memory_space<vmem>>, vector<16xf32>,
    %broadcast_in_dim3A_17 = arith.constant 1.000000e+00 : f32
    %broadcast_in_dim3A_18 = vector.broadcast %broadcast_in_dim3A_17 : f32 to vector<16xf32>
    %swap3A_19 = arith.constant 48 : index
    %swap3A_20 = tpu.vector_load %arg6[%swap3A_19] {strides = array<i32>} : memref<128xf32, #tpu.memory_space<vmem>>, vector<16xf32>,
    %swap3A_21 = vector.shape_cast %swap3A_20 : vector<16xf32> to vector<16xf32>
    %swap3A_22 = vector.shape_cast %broadcast_in_dim3A_18 : vector<16xf32> to vector<16xf32>
    tpu.vector_store %arg6[%swap3A_19], %swap3A_22 {strides = array<i32>} : memref<128xf32, #tpu.memory_space<vmem>>, vector<16xf32>,
    %broadcast_in_dim3A_23 = arith.constant 1.000000e+00 : f32
    %broadcast_in_dim3A_24 = vector.broadcast %broadcast_in_dim3A_23 : f32 to vector<16xf32>
    %swap3A_25 = arith.constant 64 : index
    %swap3A_26 = tpu.vector_load %arg6[%swap3A_25] {strides = array<i32>} : memref<128xf32, #tpu.memory_space<vmem>>, vector<16xf32>,
    %swap3A_27 = vector.shape_cast %swap3A_26 : vector<16xf32> to vector<16xf32>
    %swap3A_28 = vector.shape_cast %broadcast_in_dim3A_24 : vector<16xf32> to vector<16xf32>
    tpu.vector_store %arg6[%swap3A_25], %swap3A_28 {strides = array<i32>} : memref<128xf32, #tpu.memory_space<vmem>>, vector<16xf32>,
    %broadcast_in_dim3A_29 = arith.constant 1.000000e+00 : f32
    %broadcast_in_dim3A_30 = vector.broadcast %broadcast_in_dim3A_29 : f32 to vector<16xf32>
    %swap3A_31 = arith.constant 80 : index
    %swap3A_32 = tpu.vector_load %arg6[%swap3A_31] {strides = array<i32>} : memref<128xf32, #tpu.memory_space<vmem>>, vector<16xf32>,
    %swap3A_33 = vector.shape_cast %swap3A_32 : vector<16xf32> to vector<16xf32>
    %swap3A_34 = vector.shape_cast %broadcast_in_dim3A_30 : vector<16xf32> to vector<16xf32>
    tpu.vector_store %arg6[%swap3A_31], %swap3A_34 {strides = array<i32>} : memref<128xf32, #tpu.memory_space<vmem>>, vector<16xf32>,
    %broadcast_in_dim3A_35 = arith.constant 1.000000e+00 : f32
    %broadcast_in_dim3A_36 = vector.broadcast %broadcast_in_dim3A_35 : f32 to vector<16xf32>
    %swap3A_37 = arith.constant 96 : index
    %swap3A_38 = tpu.vector_load %arg6[%swap3A_37] {strides = array<i32>} : memref<128xf32, #tpu.memory_space<vmem>>, vector<16xf32>,
    %swap3A_39 = vector.shape_cast %swap3A_38 : vector<16xf32> to vector<16xf32>
    %swap3A_40 = vector.shape_cast %broadcast_in_dim3A_36 : vector<16xf32> to vector<16xf32>
    tpu.vector_store %arg6[%swap3A_37], %swap3A_40 {strides = array<i32>} : memref<128xf32, #tpu.memory_space<vmem>>, vector<16xf32>,
    %broadcast_in_dim3A_41 = arith.constant 1.000000e+00 : f32
    %broadcast_in_dim3A_42 = vector.broadcast %broadcast_in_dim3A_41 : f32 to vector<16xf32>
    %swap3A_43 = arith.constant 112 : index
    %swap3A_44 = tpu.vector_load %arg6[%swap3A_43] {strides = array<i32>} : memref<128xf32, #tpu.memory_space<vmem>>, vector<16xf32>,
    %swap3A_45 = vector.shape_cast %swap3A_44 : vector<16xf32> to vector<16xf32>
    %swap3A_46 = vector.shape_cast %broadcast_in_dim3A_42 : vector<16xf32> to vector<16xf32>
    tpu.vector_store %arg6[%swap3A_43], %swap3A_46 {strides = array<i32>} : memref<128xf32, #tpu.memory_space<vmem>>, vector<16xf32>,
    %mul3A_47 = arith.constant 640 : i32
    %mul3A_48 = arith.muli %arg1, %mul3A_47 : i32
    "tpu.region"() ({
      %run_scoped3A = tpu.sem_alloc : memref<!tpu.dma_semaphore, #tpu.memory_space<semaphore_mem>>
      %dma_start3A = tpu.memref_slice %arg7[%mul3A_48] : memref<10240xf32, #tpu.memory_space<vmem_shared>> -> memref<640xf32, #tpu.memory_space<vmem_shared>>
      tpu.enqueue_dma source(%arg3 : memref<640xf32, #tpu.memory_space<hbm>>) target(%dma_start3A : memref<640xf32, #tpu.memory_space<vmem_shared>>) target_semaphore(%run_scoped3A : memref<!tpu.dma_semaphore, #tpu.memory_space<semaphore_mem>>)
      %dma_wait3A = tpu.memref_slice %arg7[%mul3A_48] : memref<10240xf32, #tpu.memory_space<vmem_shared>> -> memref<640xf32, #tpu.memory_space<vmem_shared>>
      tpu.wait_dma2 semaphore(%run_scoped3A : memref<!tpu.dma_semaphore, #tpu.memory_space<semaphore_mem>>) src(%arg3 : memref<640xf32, #tpu.memory_space<hbm>>) dst(%dma_wait3A : memref<640xf32, #tpu.memory_space<vmem_shared>>)
      tpu.yield
    }) : () -> ()
    %barrier3A = arith.constant 0 : index
    tpu.barrier barrier_id(%barrier3A)
    %scan3A = arith.constant 0 : i32
    %scan3A_49 = arith.constant 0 : i32
    %scan3A_50 = arith.constant 80 : i32
    %scan3A_51 = arith.addi %scan3A_49, %scan3A_50 : i32
    %scan3A_52 = arith.constant 1 : i32
    scf.for %scan3A_62 = %scan3A_49 to %scan3A_51 step %scan3A_52  : i32 {
      "tpu.region"() ({
        %run_scoped3A = tpu.sem_alloc : memref<!tpu.dma_semaphore, #tpu.memory_space<semaphore_mem>>
        %dma_start3A = arith.constant 0 : i32
        %dma_start3A_63 = tpu.memref_slice %arg5[%scan3A_62, %dma_start3A] : memref<80x128xi32, #tpu.memory_space<vmem>> -> memref<1x128xi32, #tpu.memory_space<vmem>>
        %dma_start3A_64 = tpu.memref_squeeze %dma_start3A_63 : memref<1x128xi32, #tpu.memory_space<vmem>> -> memref<128xi32, #tpu.memory_space<vmem>>
        %dma_start3A_65 = arith.constant 0 : i32
        %dma_start3A_66 = tpu.memref_slice %arg7[%dma_start3A_65] : memref<10240xf32, #tpu.memory_space<vmem_shared>> -> memref<10240xf32, #tpu.memory_space<vmem_shared>>
        tpu.enqueue_indirect_dma source(%arg6 : memref<128xf32, #tpu.memory_space<vmem>>) target(%dma_start3A_66 : memref<10240xf32, #tpu.memory_space<vmem_shared>>) offsets(%dma_start3A_64 : memref<128xi32, #tpu.memory_space<vmem>>) semaphore(%run_scoped3A : memref<!tpu.dma_semaphore, #tpu.memory_space<semaphore_mem>>) {add = true}
        %dma_wait3A = arith.constant 0 : i32
        %dma_wait3A_67 = tpu.memref_slice %arg5[%scan3A_62, %dma_wait3A] : memref<80x128xi32, #tpu.memory_space<vmem>> -> memref<1x128xi32, #tpu.memory_space<vmem>>
        %dma_wait3A_68 = tpu.memref_squeeze %dma_wait3A_67 : memref<1x128xi32, #tpu.memory_space<vmem>> -> memref<128xi32, #tpu.memory_space<vmem>>
        %dma_wait3A_69 = arith.constant 0 : i32
        %dma_wait3A_70 = tpu.memref_slice %arg7[%dma_wait3A_69] : memref<10240xf32, #tpu.memory_space<vmem_shared>> -> memref<10240xf32, #tpu.memory_space<vmem_shared>>
        tpu.wait_indirect_dma semaphore(%run_scoped3A : memref<!tpu.dma_semaphore, #tpu.memory_space<semaphore_mem>>) src(%arg6 : memref<128xf32, #tpu.memory_space<vmem>>) dst(%dma_wait3A_70 : memref<10240xf32, #tpu.memory_space<vmem_shared>>)
        tpu.yield
      }) : () -> ()
    }
    %scan3A_53 = arith.constant 80 : i32
    %barrier3A_54 = arith.constant 0 : index
    tpu.barrier barrier_id(%barrier3A_54)
    %mul3A_55 = arith.constant 640 : i32
    %mul3A_56 = arith.muli %arg1, %mul3A_55 : i32
    %mul3A_57 = arith.constant 10240 : i32
    %mul3A_58 = arith.muli %arg0, %mul3A_57 : i32
    %mul3A_59 = arith.constant 640 : i32
    %mul3A_60 = arith.muli %arg1, %mul3A_59 : i32
    %add3A_61 = arith.addi %mul3A_58, %mul3A_60 : i32
    "tpu.region"() ({
      %run_scoped3A = tpu.sem_alloc : memref<!tpu.dma_semaphore, #tpu.memory_space<semaphore_mem>>
      %dma_start3A = tpu.memref_slice %arg4[%add3A_61] : memref<20480xf32, #tpu.memory_space<hbm>> -> memref<640xf32, #tpu.memory_space<hbm>>
      %dma_start3A_62 = tpu.memref_slice %arg7[%mul3A_56] : memref<10240xf32, #tpu.memory_space<vmem_shared>> -> memref<640xf32, #tpu.memory_space<vmem_shared>>
      tpu.enqueue_dma source(%dma_start3A_62 : memref<640xf32, #tpu.memory_space<vmem_shared>>) target(%dma_start3A : memref<640xf32, #tpu.memory_space<hbm>>) target_semaphore(%run_scoped3A : memref<!tpu.dma_semaphore, #tpu.memory_space<semaphore_mem>>)
      %dma_wait3A = tpu.memref_slice %arg4[%add3A_61] : memref<20480xf32, #tpu.memory_space<hbm>> -> memref<640xf32, #tpu.memory_space<hbm>>
      %dma_wait3A_63 = tpu.memref_slice %arg7[%mul3A_56] : memref<10240xf32, #tpu.memory_space<vmem_shared>> -> memref<640xf32, #tpu.memory_space<vmem_shared>>
      tpu.wait_dma2 semaphore(%run_scoped3A : memref<!tpu.dma_semaphore, #tpu.memory_space<semaphore_mem>>) src(%dma_wait3A_63 : memref<640xf32, #tpu.memory_space<vmem_shared>>) dst(%dma_wait3A : memref<640xf32, #tpu.memory_space<hbm>>)
      tpu.yield
    }) : () -> ()
    return
  }
}

#map = affine_map<(d0, d1) -> (0, 0)>
#map1 = affine_map<(d0, d1) -> (0, 0, 0)>
module attributes {stable_mosaic.version = 14 : i64} {
  func.func @_sc_segsum_body(%arg0: i32, %arg1: i32, %arg2: memref<10000x128xf32, #tpu.memory_space<hbm>>, %arg3: memref<32x80x128xi32, #tpu.memory_space<hbm>>, %arg4: memref<32x80x128xi32, #tpu.memory_space<hbm>>, %arg5: memref<632x128xf32, #tpu.memory_space<hbm>>, %arg6: memref<2x10112x128xf32, #tpu.memory_space<hbm>>, %arg7: memref<80x128xi32, #tpu.memory_space<vmem>>, %arg8: memref<80x128xi32, #tpu.memory_space<vmem>>, %arg9: memref<128x128xf32, #tpu.memory_space<vmem>>, %arg10: memref<10112x128xf32, #tpu.memory_space<vmem_shared>>) attributes {dimension_semantics = [#tpu.dimension_semantics<core_parallel>, #tpu.dimension_semantics<subcore_parallel>], iteration_bounds = array<i64: 2, 16>, scalar_prefetch = 0 : i64, scratch_operands = 4 : i64, tpu.core_type = #tpu.core_type<sc_vector_subcore>, window_params = [{transform_indices = #map}, {transform_indices = #map1}, {transform_indices = #map1}, {transform_indices = #map}, {transform_indices = #map1}]} {
    %mul3A = arith.constant 16 : i32
    %mul3A_0 = arith.muli %arg0, %mul3A : i32
    %add3A = arith.addi %mul3A_0, %arg1 : i32
    "tpu.region"() ({
      %run_scoped3A = tpu.sem_alloc : memref<!tpu.dma_semaphore, #tpu.memory_space<semaphore_mem>>
      %dma_start3A = arith.constant 0 : i32
      %dma_start3A_13 = arith.constant 0 : i32
      %dma_start3A_14 = tpu.memref_slice %arg3[%add3A, %dma_start3A, %dma_start3A_13] : memref<32x80x128xi32, #tpu.memory_space<hbm>> -> memref<1x80x128xi32, #tpu.memory_space<hbm>>
      %dma_start3A_15 = tpu.memref_squeeze %dma_start3A_14 : memref<1x80x128xi32, #tpu.memory_space<hbm>> -> memref<80x128xi32, #tpu.memory_space<hbm>>
      %dma_start3A_16 = arith.constant 0 : i32
      %dma_start3A_17 = arith.constant 0 : i32
      %dma_start3A_18 = tpu.memref_slice %arg3[%add3A, %dma_start3A_16, %dma_start3A_17] : memref<32x80x128xi32, #tpu.memory_space<hbm>> -> memref<1x80x128xi32, #tpu.memory_space<hbm>>
      %dma_start3A_19 = tpu.memref_squeeze %dma_start3A_18 : memref<1x80x128xi32, #tpu.memory_space<hbm>> -> memref<80x128xi32, #tpu.memory_space<hbm>>
      tpu.enqueue_dma source(%dma_start3A_19 : memref<80x128xi32, #tpu.memory_space<hbm>>) target(%arg7 : memref<80x128xi32, #tpu.memory_space<vmem>>) target_semaphore(%run_scoped3A : memref<!tpu.dma_semaphore, #tpu.memory_space<semaphore_mem>>)
      %dma_wait3A = arith.constant 0 : i32
      %dma_wait3A_20 = arith.constant 0 : i32
      %dma_wait3A_21 = tpu.memref_slice %arg3[%add3A, %dma_wait3A, %dma_wait3A_20] : memref<32x80x128xi32, #tpu.memory_space<hbm>> -> memref<1x80x128xi32, #tpu.memory_space<hbm>>
      %dma_wait3A_22 = tpu.memref_squeeze %dma_wait3A_21 : memref<1x80x128xi32, #tpu.memory_space<hbm>> -> memref<80x128xi32, #tpu.memory_space<hbm>>
      %dma_wait3A_23 = arith.constant 0 : i32
      %dma_wait3A_24 = arith.constant 0 : i32
      %dma_wait3A_25 = tpu.memref_slice %arg3[%add3A, %dma_wait3A_23, %dma_wait3A_24] : memref<32x80x128xi32, #tpu.memory_space<hbm>> -> memref<1x80x128xi32, #tpu.memory_space<hbm>>
      %dma_wait3A_26 = tpu.memref_squeeze %dma_wait3A_25 : memref<1x80x128xi32, #tpu.memory_space<hbm>> -> memref<80x128xi32, #tpu.memory_space<hbm>>
      tpu.wait_dma2 semaphore(%run_scoped3A : memref<!tpu.dma_semaphore, #tpu.memory_space<semaphore_mem>>) src(%dma_wait3A_26 : memref<80x128xi32, #tpu.memory_space<hbm>>) dst(%arg7 : memref<80x128xi32, #tpu.memory_space<vmem>>)
      tpu.yield
    }) : () -> ()
    "tpu.region"() ({
      %run_scoped3A = tpu.sem_alloc : memref<!tpu.dma_semaphore, #tpu.memory_space<semaphore_mem>>
      %dma_start3A = arith.constant 0 : i32
      %dma_start3A_13 = arith.constant 0 : i32
      %dma_start3A_14 = tpu.memref_slice %arg4[%add3A, %dma_start3A, %dma_start3A_13] : memref<32x80x128xi32, #tpu.memory_space<hbm>> -> memref<1x80x128xi32, #tpu.memory_space<hbm>>
      %dma_start3A_15 = tpu.memref_squeeze %dma_start3A_14 : memref<1x80x128xi32, #tpu.memory_space<hbm>> -> memref<80x128xi32, #tpu.memory_space<hbm>>
      %dma_start3A_16 = arith.constant 0 : i32
      %dma_start3A_17 = arith.constant 0 : i32
      %dma_start3A_18 = tpu.memref_slice %arg4[%add3A, %dma_start3A_16, %dma_start3A_17] : memref<32x80x128xi32, #tpu.memory_space<hbm>> -> memref<1x80x128xi32, #tpu.memory_space<hbm>>
      %dma_start3A_19 = tpu.memref_squeeze %dma_start3A_18 : memref<1x80x128xi32, #tpu.memory_space<hbm>> -> memref<80x128xi32, #tpu.memory_space<hbm>>
      tpu.enqueue_dma source(%dma_start3A_19 : memref<80x128xi32, #tpu.memory_space<hbm>>) target(%arg8 : memref<80x128xi32, #tpu.memory_space<vmem>>) target_semaphore(%run_scoped3A : memref<!tpu.dma_semaphore, #tpu.memory_space<semaphore_mem>>)
      %dma_wait3A = arith.constant 0 : i32
      %dma_wait3A_20 = arith.constant 0 : i32
      %dma_wait3A_21 = tpu.memref_slice %arg4[%add3A, %dma_wait3A, %dma_wait3A_20] : memref<32x80x128xi32, #tpu.memory_space<hbm>> -> memref<1x80x128xi32, #tpu.memory_space<hbm>>
      %dma_wait3A_22 = tpu.memref_squeeze %dma_wait3A_21 : memref<1x80x128xi32, #tpu.memory_space<hbm>> -> memref<80x128xi32, #tpu.memory_space<hbm>>
      %dma_wait3A_23 = arith.constant 0 : i32
      %dma_wait3A_24 = arith.constant 0 : i32
      %dma_wait3A_25 = tpu.memref_slice %arg4[%add3A, %dma_wait3A_23, %dma_wait3A_24] : memref<32x80x128xi32, #tpu.memory_space<hbm>> -> memref<1x80x128xi32, #tpu.memory_space<hbm>>
      %dma_wait3A_26 = tpu.memref_squeeze %dma_wait3A_25 : memref<1x80x128xi32, #tpu.memory_space<hbm>> -> memref<80x128xi32, #tpu.memory_space<hbm>>
      tpu.wait_dma2 semaphore(%run_scoped3A : memref<!tpu.dma_semaphore, #tpu.memory_space<semaphore_mem>>) src(%dma_wait3A_26 : memref<80x128xi32, #tpu.memory_space<hbm>>) dst(%arg8 : memref<80x128xi32, #tpu.memory_space<vmem>>)
      tpu.yield
    }) : () -> ()
    %mul3A_1 = arith.constant 632 : i32
    %mul3A_2 = arith.muli %arg1, %mul3A_1 : i32
    "tpu.region"() ({
      %run_scoped3A = tpu.sem_alloc : memref<!tpu.dma_semaphore, #tpu.memory_space<semaphore_mem>>
      %dma_start3A = arith.constant 0 : i32
      %dma_start3A_13 = tpu.memref_slice %arg10[%mul3A_2, %dma_start3A] : memref<10112x128xf32, #tpu.memory_space<vmem_shared>> -> memref<632x128xf32, #tpu.memory_space<vmem_shared>>
      tpu.enqueue_dma source(%arg5 : memref<632x128xf32, #tpu.memory_space<hbm>>) target(%dma_start3A_13 : memref<632x128xf32, #tpu.memory_space<vmem_shared>>) target_semaphore(%run_scoped3A : memref<!tpu.dma_semaphore, #tpu.memory_space<semaphore_mem>>)
      %dma_wait3A = arith.constant 0 : i32
      %dma_wait3A_14 = tpu.memref_slice %arg10[%mul3A_2, %dma_wait3A] : memref<10112x128xf32, #tpu.memory_space<vmem_shared>> -> memref<632x128xf32, #tpu.memory_space<vmem_shared>>
      tpu.wait_dma2 semaphore(%run_scoped3A : memref<!tpu.dma_semaphore, #tpu.memory_space<semaphore_mem>>) src(%arg5 : memref<632x128xf32, #tpu.memory_space<hbm>>) dst(%dma_wait3A_14 : memref<632x128xf32, #tpu.memory_space<vmem_shared>>)
      tpu.yield
    }) : () -> ()
    %barrier3A = arith.constant 0 : index
    tpu.barrier barrier_id(%barrier3A)
    %scan3A = arith.constant 0 : i32
    %scan3A_3 = arith.constant 0 : i32
    %scan3A_4 = arith.constant 80 : i32
    %scan3A_5 = arith.addi %scan3A_3, %scan3A_4 : i32
    %scan3A_6 = arith.constant 1 : i32
    scf.for %scan3A_13 = %scan3A_3 to %scan3A_5 step %scan3A_6  : i32 {
      "tpu.region"() ({
        %run_scoped3A = tpu.sem_alloc : memref<!tpu.dma_semaphore, #tpu.memory_space<semaphore_mem>>
        %dma_start3A = arith.constant 0 : i32
        %dma_start3A_14 = tpu.memref_slice %arg7[%scan3A_13, %dma_start3A] : memref<80x128xi32, #tpu.memory_space<vmem>> -> memref<1x128xi32, #tpu.memory_space<vmem>>
        %dma_start3A_15 = tpu.memref_squeeze %dma_start3A_14 : memref<1x128xi32, #tpu.memory_space<vmem>> -> memref<128xi32, #tpu.memory_space<vmem>>
        %dma_start3A_16 = arith.constant 0 : i32
        %dma_start3A_17 = arith.constant 0 : i32
        %dma_start3A_18 = tpu.memref_slice %arg2[%dma_start3A_16, %dma_start3A_17] : memref<10000x128xf32, #tpu.memory_space<hbm>> -> memref<10000x128xf32, #tpu.memory_space<hbm>>
        tpu.enqueue_indirect_dma source(%dma_start3A_18 : memref<10000x128xf32, #tpu.memory_space<hbm>>) target(%arg9 : memref<128x128xf32, #tpu.memory_space<vmem>>) offsets(%dma_start3A_15 : memref<128xi32, #tpu.memory_space<vmem>>) semaphore(%run_scoped3A : memref<!tpu.dma_semaphore, #tpu.memory_space<semaphore_mem>>)
        %dma_wait3A = arith.constant 0 : i32
        %dma_wait3A_19 = tpu.memref_slice %arg7[%scan3A_13, %dma_wait3A] : memref<80x128xi32, #tpu.memory_space<vmem>> -> memref<1x128xi32, #tpu.memory_space<vmem>>
        %dma_wait3A_20 = tpu.memref_squeeze %dma_wait3A_19 : memref<1x128xi32, #tpu.memory_space<vmem>> -> memref<128xi32, #tpu.memory_space<vmem>>
        %dma_wait3A_21 = arith.constant 0 : i32
        %dma_wait3A_22 = arith.constant 0 : i32
        %dma_wait3A_23 = tpu.memref_slice %arg2[%dma_wait3A_21, %dma_wait3A_22] : memref<10000x128xf32, #tpu.memory_space<hbm>> -> memref<10000x128xf32, #tpu.memory_space<hbm>>
        tpu.wait_indirect_dma semaphore(%run_scoped3A : memref<!tpu.dma_semaphore, #tpu.memory_space<semaphore_mem>>) src(%dma_wait3A_23 : memref<10000x128xf32, #tpu.memory_space<hbm>>) dst(%arg9 : memref<128x128xf32, #tpu.memory_space<vmem>>)
        tpu.yield
      }) : () -> ()
      "tpu.region"() ({
        %run_scoped3A = tpu.sem_alloc : memref<!tpu.dma_semaphore, #tpu.memory_space<semaphore_mem>>
        %dma_start3A = arith.constant 0 : i32
        %dma_start3A_14 = tpu.memref_slice %arg8[%scan3A_13, %dma_start3A] : memref<80x128xi32, #tpu.memory_space<vmem>> -> memref<1x128xi32, #tpu.memory_space<vmem>>
        %dma_start3A_15 = tpu.memref_squeeze %dma_start3A_14 : memref<1x128xi32, #tpu.memory_space<vmem>> -> memref<128xi32, #tpu.memory_space<vmem>>
        %dma_start3A_16 = arith.constant 0 : i32
        %dma_start3A_17 = arith.constant 0 : i32
        %dma_start3A_18 = tpu.memref_slice %arg10[%dma_start3A_16, %dma_start3A_17] : memref<10112x128xf32, #tpu.memory_space<vmem_shared>> -> memref<10112x128xf32, #tpu.memory_space<vmem_shared>>
        tpu.enqueue_indirect_dma source(%arg9 : memref<128x128xf32, #tpu.memory_space<vmem>>) target(%dma_start3A_18 : memref<10112x128xf32, #tpu.memory_space<vmem_shared>>) offsets(%dma_start3A_15 : memref<128xi32, #tpu.memory_space<vmem>>) semaphore(%run_scoped3A : memref<!tpu.dma_semaphore, #tpu.memory_space<semaphore_mem>>) {add = true}
        %dma_wait3A = arith.constant 0 : i32
        %dma_wait3A_19 = tpu.memref_slice %arg8[%scan3A_13, %dma_wait3A] : memref<80x128xi32, #tpu.memory_space<vmem>> -> memref<1x128xi32, #tpu.memory_space<vmem>>
        %dma_wait3A_20 = tpu.memref_squeeze %dma_wait3A_19 : memref<1x128xi32, #tpu.memory_space<vmem>> -> memref<128xi32, #tpu.memory_space<vmem>>
        %dma_wait3A_21 = arith.constant 0 : i32
        %dma_wait3A_22 = arith.constant 0 : i32
        %dma_wait3A_23 = tpu.memref_slice %arg10[%dma_wait3A_21, %dma_wait3A_22] : memref<10112x128xf32, #tpu.memory_space<vmem_shared>> -> memref<10112x128xf32, #tpu.memory_space<vmem_shared>>
        tpu.wait_indirect_dma semaphore(%run_scoped3A : memref<!tpu.dma_semaphore, #tpu.memory_space<semaphore_mem>>) src(%arg9 : memref<128x128xf32, #tpu.memory_space<vmem>>) dst(%dma_wait3A_23 : memref<10112x128xf32, #tpu.memory_space<vmem_shared>>)
        tpu.yield
      }) : () -> ()
    }
    %scan3A_7 = arith.constant 80 : i32
    %barrier3A_8 = arith.constant 0 : index
    tpu.barrier barrier_id(%barrier3A_8)
    %mul3A_9 = arith.constant 632 : i32
    %mul3A_10 = arith.muli %arg1, %mul3A_9 : i32
    %mul3A_11 = arith.constant 632 : i32
    %mul3A_12 = arith.muli %arg1, %mul3A_11 : i32
    "tpu.region"() ({
      %run_scoped3A = tpu.sem_alloc : memref<!tpu.dma_semaphore, #tpu.memory_space<semaphore_mem>>
      %dma_start3A = arith.constant 0 : i32
      %dma_start3A_13 = tpu.memref_slice %arg6[%arg0, %mul3A_12, %dma_start3A] : memref<2x10112x128xf32, #tpu.memory_space<hbm>> -> memref<1x632x128xf32, #tpu.memory_space<hbm>>
      %dma_start3A_14 = tpu.memref_squeeze %dma_start3A_13 : memref<1x632x128xf32, #tpu.memory_space<hbm>> -> memref<632x128xf32, #tpu.memory_space<hbm>>
      %dma_start3A_15 = arith.constant 0 : i32
      %dma_start3A_16 = tpu.memref_slice %arg10[%mul3A_10, %dma_start3A_15] : memref<10112x128xf32, #tpu.memory_space<vmem_shared>> -> memref<632x128xf32, #tpu.memory_space<vmem_shared>>
      tpu.enqueue_dma source(%dma_start3A_16 : memref<632x128xf32, #tpu.memory_space<vmem_shared>>) target(%dma_start3A_14 : memref<632x128xf32, #tpu.memory_space<hbm>>) target_semaphore(%run_scoped3A : memref<!tpu.dma_semaphore, #tpu.memory_space<semaphore_mem>>)
      %dma_wait3A = arith.constant 0 : i32
      %dma_wait3A_17 = tpu.memref_slice %arg6[%arg0, %mul3A_12, %dma_wait3A] : memref<2x10112x128xf32, #tpu.memory_space<hbm>> -> memref<1x632x128xf32, #tpu.memory_space<hbm>>
      %dma_wait3A_18 = tpu.memref_squeeze %dma_wait3A_17 : memref<1x632x128xf32, #tpu.memory_space<hbm>> -> memref<632x128xf32, #tpu.memory_space<hbm>>
      %dma_wait3A_19 = arith.constant 0 : i32
      %dma_wait3A_20 = tpu.memref_slice %arg10[%mul3A_10, %dma_wait3A_19] : memref<10112x128xf32, #tpu.memory_space<vmem_shared>> -> memref<632x128xf32, #tpu.memory_space<vmem_shared>>
      tpu.wait_dma2 semaphore(%run_scoped3A : memref<!tpu.dma_semaphore, #tpu.memory_space<semaphore_mem>>) src(%dma_wait3A_20 : memref<632x128xf32, #tpu.memory_space<vmem_shared>>) dst(%dma_wait3A_18 : memref<632x128xf32, #tpu.memory_space<hbm>>)
      tpu.yield
    }) : () -> ()
    return
  }
}

module attributes {stable_mosaic.version = 14 : i64} {
  func.func @_tc_pre_body(%arg0: i32, %arg1: i32, %arg2: memref<1000x128xf32, #tpu.memory_space<vmem>>, %arg3: memref<128x128xf32, #tpu.memory_space<vmem>>, %arg4: memref<2x1000x1xf32, #tpu.memory_space<vmem>>, %arg5: memref<1x1000x128xf32, #tpu.memory_space<vmem>>) attributes {dimension_semantics = [#tpu.dimension_semantics<arbitrary>, #tpu.dimension_semantics<arbitrary>], iteration_bounds = array<i64: 10, 2>, scalar_prefetch = 0 : i64, scratch_operands = 0 : i64, tpu.core_type = #tpu.core_type<tc>, window_params = [{transform_indices = @transform_0, window_bounds = array<i64: 1000, 128>}, {transform_indices = @transform_1, window_bounds = array<i64: 128, 128>}, {transform_indices = @transform_2, window_bounds = array<i64: 2, 1000, 1>}, {transform_indices = @transform_3, window_bounds = array<i64: 1, 1000, 128>}]} {
    %get3A = arith.constant 0 : index
    %get3A_0 = arith.constant 0 : index
    %get3A_1 = arith.constant 0 : index
    %get3A_2 = vector.load %arg4[%get3A, %get3A_0, %get3A_1] : memref<2x1000x1xf32, #tpu.memory_space<vmem>>, vector<1x1000x1xf32>
    %get3A_3 = vector.shape_cast %get3A_2 : vector<1x1000x1xf32> to vector<1000x1xf32>
    %get3A_4 = arith.constant 1 : index
    %get3A_5 = arith.constant 0 : index
    %get3A_6 = arith.constant 0 : index
    %get3A_7 = vector.load %arg4[%get3A_4, %get3A_5, %get3A_6] : memref<2x1000x1xf32, #tpu.memory_space<vmem>>, vector<1x1000x1xf32>
    %get3A_8 = vector.shape_cast %get3A_7 : vector<1x1000x1xf32> to vector<1000x1xf32>
    %add3A = arith.addf %get3A_3, %get3A_8 : vector<1000x1xf32>
    %add3A_9 = arith.constant 1.000000e+00 : f32
    %add3A_10 = vector.broadcast %add3A_9 : f32 to vector<1000x1xf32>
    %add3A_11 = arith.addf %add3A, %add3A_10 : vector<1000x1xf32>
    %sqrt3A = math.sqrt %add3A_11 : vector<1000x1xf32>
    %div3A = arith.constant 1.000000e+00 : f32
    %div3A_12 = vector.broadcast %div3A : f32 to vector<1000x1xf32>
    %div3A_13 = arith.divf %div3A_12, %sqrt3A : vector<1000x1xf32>
    %get3A_14 = arith.constant 0 : index
    %get3A_15 = arith.constant 0 : index
    %get3A_16 = vector.load %arg2[%get3A_14, %get3A_15] : memref<1000x128xf32, #tpu.memory_space<vmem>>, vector<1000x128xf32>
    %get3A_17 = arith.constant 0 : index
    %get3A_18 = arith.constant 0 : index
    %get3A_19 = vector.load %arg3[%get3A_17, %get3A_18] : memref<128x128xf32, #tpu.memory_space<vmem>>, vector<128x128xf32>
    %dot_general3A = arith.constant dense<0.000000e+00> : vector<1000x128xf32>
    %dot_general3A_20 = tpu.matmul %get3A_16, %get3A_19, %dot_general3A {dimension_numbers = #tpu.dot_dimension_numbers<[1], [0], [0], [1], [0, 0, 1, 1], [], []>, transpose_lhs_hint = false} : vector<1000x128xf32>, vector<128x128xf32>, vector<1000x128xf32> -> vector<1000x128xf32>
    %mul3A = vector.broadcast %div3A_13 : vector<1000x1xf32> to vector<1000x128xf32>
    %mul3A_21 = arith.mulf %dot_general3A_20, %mul3A : vector<1000x128xf32>
    %swap3A = arith.constant 0 : index
    %swap3A_22 = arith.constant 0 : index
    %swap3A_23 = arith.constant 0 : index
    %swap3A_24 = vector.load %arg5[%swap3A, %swap3A_22, %swap3A_23] : memref<1x1000x128xf32, #tpu.memory_space<vmem>>, vector<1x1000x128xf32>
    %swap3A_25 = vector.shape_cast %swap3A_24 : vector<1x1000x128xf32> to vector<1000x128xf32>
    %swap3A_26 = vector.shape_cast %mul3A_21 : vector<1000x128xf32> to vector<1x1000x128xf32>
    tpu.vector_store %arg5[%swap3A, %swap3A_22, %swap3A_23], %swap3A_26 {strides = array<i32>} : memref<1x1000x128xf32, #tpu.memory_space<vmem>>, vector<1x1000x128xf32>,
    return
  }
  func.func @transform_0(%arg0: i32, %arg1: i32) -> (i32, i32) {
    %c0_i32 = arith.constant 0 : i32
    %c0_i32_0 = arith.constant 0 : i32
    return %arg0, %c0_i32 : i32, i32
  }
  func.func @transform_1(%arg0: i32, %arg1: i32) -> (i32, i32) {
    %c0_i32 = arith.constant 0 : i32
    %c0_i32_0 = arith.constant 0 : i32
    return %c0_i32, %arg1 : i32, i32
  }
  func.func @transform_2(%arg0: i32, %arg1: i32) -> (i32, i32, i32) {
    %c0_i32 = arith.constant 0 : i32
    %c0_i32_0 = arith.constant 0 : i32
    %c0_i32_1 = arith.constant 0 : i32
    return %c0_i32, %arg0, %c0_i32_0 : i32, i32, i32
  }
  func.func @transform_3(%arg0: i32, %arg1: i32) -> (i32, i32, i32) {
    %c0_i32 = arith.constant 0 : i32
    %c0_i32_0 = arith.constant 0 : i32
    return %arg1, %arg0, %c0_i32 : i32, i32, i32
  }
}

module attributes {stable_mosaic.version = 14 : i64} {
  func.func @_tc_mid_body(%arg0: i32, %arg1: memref<2x1000x128xf32, #tpu.memory_space<vmem>>, %arg2: memref<2x1000x128xf32, #tpu.memory_space<vmem>>, %arg3: memref<2x1000x128xf32, #tpu.memory_space<vmem>>, %arg4: memref<2x1000x1xf32, #tpu.memory_space<vmem>>, %arg5: memref<1x256xf32, #tpu.memory_space<vmem>>, %arg6: memref<256x128xf32, #tpu.memory_space<vmem>>, %arg7: memref<1000x128xf32, #tpu.memory_space<vmem>>) attributes {dimension_semantics = [#tpu.dimension_semantics<arbitrary>], iteration_bounds = array<i64: 10>, scalar_prefetch = 0 : i64, scratch_operands = 0 : i64, tpu.core_type = #tpu.core_type<tc>, window_params = [{transform_indices = @transform_0, window_bounds = array<i64: 2, 1000, 128>}, {transform_indices = @transform_1, window_bounds = array<i64: 2, 1000, 128>}, {transform_indices = @transform_2, window_bounds = array<i64: 2, 1000, 128>}, {transform_indices = @transform_3, window_bounds = array<i64: 2, 1000, 1>}, {pipeline_mode = #tpu.pipeline_mode<synchronous>, transform_indices = @transform_4, window_bounds = array<i64: 1, 256>}, {pipeline_mode = #tpu.pipeline_mode<synchronous>, transform_indices = @transform_5, window_bounds = array<i64: 256, 128>}, {transform_indices = @transform_6, window_bounds = array<i64: 1000, 128>}]} {
    %get3A = arith.constant 0 : index
    %get3A_0 = arith.constant 0 : index
    %get3A_1 = arith.constant 0 : index
    %get3A_2 = vector.load %arg4[%get3A, %get3A_0, %get3A_1] : memref<2x1000x1xf32, #tpu.memory_space<vmem>>, vector<1x1000x1xf32>
    %get3A_3 = vector.shape_cast %get3A_2 : vector<1x1000x1xf32> to vector<1000x1xf32>
    %get3A_4 = arith.constant 1 : index
    %get3A_5 = arith.constant 0 : index
    %get3A_6 = arith.constant 0 : index
    %get3A_7 = vector.load %arg4[%get3A_4, %get3A_5, %get3A_6] : memref<2x1000x1xf32, #tpu.memory_space<vmem>>, vector<1x1000x1xf32>
    %get3A_8 = vector.shape_cast %get3A_7 : vector<1x1000x1xf32> to vector<1000x1xf32>
    %add3A = arith.addf %get3A_3, %get3A_8 : vector<1000x1xf32>
    %add3A_9 = arith.constant 1.000000e+00 : f32
    %add3A_10 = vector.broadcast %add3A_9 : f32 to vector<1000x1xf32>
    %add3A_11 = arith.addf %add3A, %add3A_10 : vector<1000x1xf32>
    %sqrt3A = math.sqrt %add3A_11 : vector<1000x1xf32>
    %div3A = arith.constant 1.000000e+00 : f32
    %div3A_12 = vector.broadcast %div3A : f32 to vector<1000x1xf32>
    %div3A_13 = arith.divf %div3A_12, %sqrt3A : vector<1000x1xf32>
    %get3A_14 = arith.constant 0 : index
    %get3A_15 = arith.constant 0 : index
    %get3A_16 = arith.constant 0 : index
    %get3A_17 = vector.load %arg1[%get3A_14, %get3A_15, %get3A_16] : memref<2x1000x128xf32, #tpu.memory_space<vmem>>, vector<1x1000x128xf32>
    %get3A_18 = vector.shape_cast %get3A_17 : vector<1x1000x128xf32> to vector<1000x128xf32>
    %get3A_19 = arith.constant 1 : index
    %get3A_20 = arith.constant 0 : index
    %get3A_21 = arith.constant 0 : index
    %get3A_22 = vector.load %arg1[%get3A_19, %get3A_20, %get3A_21] : memref<2x1000x128xf32, #tpu.memory_space<vmem>>, vector<1x1000x128xf32>
    %get3A_23 = vector.shape_cast %get3A_22 : vector<1x1000x128xf32> to vector<1000x128xf32>
    %add3A_24 = arith.addf %get3A_18, %get3A_23 : vector<1000x128xf32>
    %get3A_25 = arith.constant 0 : index
    %get3A_26 = arith.constant 0 : index
    %get3A_27 = arith.constant 0 : index
    %get3A_28 = vector.load %arg3[%get3A_25, %get3A_26, %get3A_27] : memref<2x1000x128xf32, #tpu.memory_space<vmem>>, vector<1x1000x128xf32>
    %get3A_29 = vector.shape_cast %get3A_28 : vector<1x1000x128xf32> to vector<1000x128xf32>
    %add3A_30 = arith.addf %add3A_24, %get3A_29 : vector<1000x128xf32>
    %mul3A = vector.broadcast %div3A_13 : vector<1000x1xf32> to vector<1000x128xf32>
    %mul3A_31 = arith.mulf %add3A_30, %mul3A : vector<1000x128xf32>
    %get3A_32 = arith.constant 0 : index
    %get3A_33 = arith.constant 0 : index
    %get3A_34 = vector.load %arg5[%get3A_32, %get3A_33] : memref<1x256xf32, #tpu.memory_space<vmem>>, vector<1x128xf32>
    %get3A_35 = vector.shape_cast %get3A_34 : vector<1x128xf32> to vector<128xf32>
    %broadcast_in_dim3A = vector.shape_cast %get3A_35 : vector<128xf32> to vector<1x128xf32>
    %add3A_36 = vector.broadcast %broadcast_in_dim3A : vector<1x128xf32> to vector<1000x128xf32>
    %add3A_37 = arith.addf %mul3A_31, %add3A_36 : vector<1000x128xf32>
    %max3A = arith.constant 0.000000e+00 : f32
    %max3A_38 = vector.broadcast %max3A : f32 to vector<1000x128xf32>
    %max3A_39 = arith.maximumf %add3A_37, %max3A_38 : vector<1000x128xf32>
    %get3A_40 = arith.constant 0 : index
    %get3A_41 = arith.constant 0 : index
    %get3A_42 = arith.constant 0 : index
    %get3A_43 = vector.load %arg2[%get3A_40, %get3A_41, %get3A_42] : memref<2x1000x128xf32, #tpu.memory_space<vmem>>, vector<1x1000x128xf32>
    %get3A_44 = vector.shape_cast %get3A_43 : vector<1x1000x128xf32> to vector<1000x128xf32>
    %get3A_45 = arith.constant 1 : index
    %get3A_46 = arith.constant 0 : index
    %get3A_47 = arith.constant 0 : index
    %get3A_48 = vector.load %arg2[%get3A_45, %get3A_46, %get3A_47] : memref<2x1000x128xf32, #tpu.memory_space<vmem>>, vector<1x1000x128xf32>
    %get3A_49 = vector.shape_cast %get3A_48 : vector<1x1000x128xf32> to vector<1000x128xf32>
    %add3A_50 = arith.addf %get3A_44, %get3A_49 : vector<1000x128xf32>
    %get3A_51 = arith.constant 1 : index
    %get3A_52 = arith.constant 0 : index
    %get3A_53 = arith.constant 0 : index
    %get3A_54 = vector.load %arg3[%get3A_51, %get3A_52, %get3A_53] : memref<2x1000x128xf32, #tpu.memory_space<vmem>>, vector<1x1000x128xf32>
    %get3A_55 = vector.shape_cast %get3A_54 : vector<1x1000x128xf32> to vector<1000x128xf32>
    %add3A_56 = arith.addf %add3A_50, %get3A_55 : vector<1000x128xf32>
    %mul3A_57 = vector.broadcast %div3A_13 : vector<1000x1xf32> to vector<1000x128xf32>
    %mul3A_58 = arith.mulf %add3A_56, %mul3A_57 : vector<1000x128xf32>
    %get3A_59 = arith.constant 0 : index
    %get3A_60 = arith.constant 128 : index
    %get3A_61 = vector.load %arg5[%get3A_59, %get3A_60] : memref<1x256xf32, #tpu.memory_space<vmem>>, vector<1x128xf32>
    %get3A_62 = vector.shape_cast %get3A_61 : vector<1x128xf32> to vector<128xf32>
    %broadcast_in_dim3A_63 = vector.shape_cast %get3A_62 : vector<128xf32> to vector<1x128xf32>
    %add3A_64 = vector.broadcast %broadcast_in_dim3A_63 : vector<1x128xf32> to vector<1000x128xf32>
    %add3A_65 = arith.addf %mul3A_58, %add3A_64 : vector<1000x128xf32>
    %max3A_66 = arith.constant 0.000000e+00 : f32
    %max3A_67 = vector.broadcast %max3A_66 : f32 to vector<1000x128xf32>
    %max3A_68 = arith.maximumf %add3A_65, %max3A_67 : vector<1000x128xf32>
    %get3A_69 = arith.constant 0 : index
    %get3A_70 = arith.constant 0 : index
    %get3A_71 = vector.load %arg6[%get3A_69, %get3A_70] : memref<256x128xf32, #tpu.memory_space<vmem>>, vector<128x128xf32>
    %dot_general3A = arith.constant dense<0.000000e+00> : vector<1000x128xf32>
    %dot_general3A_72 = tpu.matmul %max3A_39, %get3A_71, %dot_general3A {dimension_numbers = #tpu.dot_dimension_numbers<[1], [0], [0], [1], [0, 0, 1, 1], [], []>, transpose_lhs_hint = false} : vector<1000x128xf32>, vector<128x128xf32>, vector<1000x128xf32> -> vector<1000x128xf32>
    %get3A_73 = arith.constant 128 : index
    %get3A_74 = arith.constant 0 : index
    %get3A_75 = vector.load %arg6[%get3A_73, %get3A_74] : memref<256x128xf32, #tpu.memory_space<vmem>>, vector<128x128xf32>
    %dot_general3A_76 = arith.constant dense<0.000000e+00> : vector<1000x128xf32>
    %dot_general3A_77 = tpu.matmul %max3A_68, %get3A_75, %dot_general3A_76 {dimension_numbers = #tpu.dot_dimension_numbers<[1], [0], [0], [1], [0, 0, 1, 1], [], []>, transpose_lhs_hint = false} : vector<1000x128xf32>, vector<128x128xf32>, vector<1000x128xf32> -> vector<1000x128xf32>
    %add3A_78 = arith.addf %dot_general3A_72, %dot_general3A_77 : vector<1000x128xf32>
    %mul3A_79 = vector.broadcast %div3A_13 : vector<1000x1xf32> to vector<1000x128xf32>
    %mul3A_80 = arith.mulf %add3A_78, %mul3A_79 : vector<1000x128xf32>
    %swap3A = arith.constant 0 : index
    %swap3A_81 = arith.constant 0 : index
    %swap3A_82 = vector.load %arg7[%swap3A, %swap3A_81] : memref<1000x128xf32, #tpu.memory_space<vmem>>, vector<1000x128xf32>
    tpu.vector_store %arg7[%swap3A, %swap3A_81], %mul3A_80 {strides = array<i32>} : memref<1000x128xf32, #tpu.memory_space<vmem>>, vector<1000x128xf32>,
    return
  }
  func.func @transform_0(%arg0: i32) -> (i32, i32, i32) {
    %c0_i32 = arith.constant 0 : i32
    %c0_i32_0 = arith.constant 0 : i32
    %c0_i32_1 = arith.constant 0 : i32
    return %c0_i32, %arg0, %c0_i32_0 : i32, i32, i32
  }
  func.func @transform_1(%arg0: i32) -> (i32, i32, i32) {
    %c0_i32 = arith.constant 0 : i32
    %c0_i32_0 = arith.constant 0 : i32
    %c0_i32_1 = arith.constant 0 : i32
    return %c0_i32, %arg0, %c0_i32_0 : i32, i32, i32
  }
  func.func @transform_2(%arg0: i32) -> (i32, i32, i32) {
    %c0_i32 = arith.constant 0 : i32
    %c0_i32_0 = arith.constant 0 : i32
    %c0_i32_1 = arith.constant 0 : i32
    return %c0_i32, %arg0, %c0_i32_0 : i32, i32, i32
  }
  func.func @transform_3(%arg0: i32) -> (i32, i32, i32) {
    %c0_i32 = arith.constant 0 : i32
    %c0_i32_0 = arith.constant 0 : i32
    %c0_i32_1 = arith.constant 0 : i32
    return %c0_i32, %arg0, %c0_i32_0 : i32, i32, i32
  }
  func.func @transform_4(%arg0: i32) -> (i32, i32) {
    %c0_i32 = arith.constant 0 : i32
    %c0_i32_0 = arith.constant 0 : i32
    %c0_i32_1 = arith.constant 0 : i32
    return %c0_i32, %c0_i32_0 : i32, i32
  }
  func.func @transform_5(%arg0: i32) -> (i32, i32) {
    %c0_i32 = arith.constant 0 : i32
    %c0_i32_0 = arith.constant 0 : i32
    %c0_i32_1 = arith.constant 0 : i32
    return %c0_i32, %c0_i32_0 : i32, i32
  }
  func.func @transform_6(%arg0: i32) -> (i32, i32) {
    %c0_i32 = arith.constant 0 : i32
    %c0_i32_0 = arith.constant 0 : i32
    return %arg0, %c0_i32 : i32, i32
  }
}

module attributes {stable_mosaic.version = 14 : i64} {
  func.func @_tc_post_body(%arg0: i32, %arg1: memref<2x1000x128xf32, #tpu.memory_space<vmem>>, %arg2: memref<1000x128xf32, #tpu.memory_space<vmem>>, %arg3: memref<2x1000x1xf32, #tpu.memory_space<vmem>>, %arg4: memref<1x128xf32, #tpu.memory_space<vmem>>, %arg5: memref<1000x128xf32, #tpu.memory_space<vmem>>) attributes {dimension_semantics = [#tpu.dimension_semantics<arbitrary>], iteration_bounds = array<i64: 10>, scalar_prefetch = 0 : i64, scratch_operands = 0 : i64, tpu.core_type = #tpu.core_type<tc>, window_params = [{transform_indices = @transform_0, window_bounds = array<i64: 2, 1000, 128>}, {transform_indices = @transform_1, window_bounds = array<i64: 1000, 128>}, {transform_indices = @transform_2, window_bounds = array<i64: 2, 1000, 1>}, {pipeline_mode = #tpu.pipeline_mode<synchronous>, transform_indices = @transform_3, window_bounds = array<i64: 1, 128>}, {transform_indices = @transform_4, window_bounds = array<i64: 1000, 128>}]} {
    %get3A = arith.constant 0 : index
    %get3A_0 = arith.constant 0 : index
    %get3A_1 = arith.constant 0 : index
    %get3A_2 = vector.load %arg3[%get3A, %get3A_0, %get3A_1] : memref<2x1000x1xf32, #tpu.memory_space<vmem>>, vector<1x1000x1xf32>
    %get3A_3 = vector.shape_cast %get3A_2 : vector<1x1000x1xf32> to vector<1000x1xf32>
    %get3A_4 = arith.constant 1 : index
    %get3A_5 = arith.constant 0 : index
    %get3A_6 = arith.constant 0 : index
    %get3A_7 = vector.load %arg3[%get3A_4, %get3A_5, %get3A_6] : memref<2x1000x1xf32, #tpu.memory_space<vmem>>, vector<1x1000x1xf32>
    %get3A_8 = vector.shape_cast %get3A_7 : vector<1x1000x1xf32> to vector<1000x1xf32>
    %add3A = arith.addf %get3A_3, %get3A_8 : vector<1000x1xf32>
    %add3A_9 = arith.constant 1.000000e+00 : f32
    %add3A_10 = vector.broadcast %add3A_9 : f32 to vector<1000x1xf32>
    %add3A_11 = arith.addf %add3A, %add3A_10 : vector<1000x1xf32>
    %sqrt3A = math.sqrt %add3A_11 : vector<1000x1xf32>
    %div3A = arith.constant 1.000000e+00 : f32
    %div3A_12 = vector.broadcast %div3A : f32 to vector<1000x1xf32>
    %div3A_13 = arith.divf %div3A_12, %sqrt3A : vector<1000x1xf32>
    %get3A_14 = arith.constant 0 : index
    %get3A_15 = arith.constant 0 : index
    %get3A_16 = arith.constant 0 : index
    %get3A_17 = vector.load %arg1[%get3A_14, %get3A_15, %get3A_16] : memref<2x1000x128xf32, #tpu.memory_space<vmem>>, vector<1x1000x128xf32>
    %get3A_18 = vector.shape_cast %get3A_17 : vector<1x1000x128xf32> to vector<1000x128xf32>
    %get3A_19 = arith.constant 1 : index
    %get3A_20 = arith.constant 0 : index
    %get3A_21 = arith.constant 0 : index
    %get3A_22 = vector.load %arg1[%get3A_19, %get3A_20, %get3A_21] : memref<2x1000x128xf32, #tpu.memory_space<vmem>>, vector<1x1000x128xf32>
    %get3A_23 = vector.shape_cast %get3A_22 : vector<1x1000x128xf32> to vector<1000x128xf32>
    %add3A_24 = arith.addf %get3A_18, %get3A_23 : vector<1000x128xf32>
    %get3A_25 = arith.constant 0 : index
    %get3A_26 = arith.constant 0 : index
    %get3A_27 = vector.load %arg2[%get3A_25, %get3A_26] : memref<1000x128xf32, #tpu.memory_space<vmem>>, vector<1000x128xf32>
    %add3A_28 = arith.addf %add3A_24, %get3A_27 : vector<1000x128xf32>
    %mul3A = vector.broadcast %div3A_13 : vector<1000x1xf32> to vector<1000x128xf32>
    %mul3A_29 = arith.mulf %add3A_28, %mul3A : vector<1000x128xf32>
    %get3A_30 = arith.constant 0 : index
    %get3A_31 = arith.constant 0 : index
    %get3A_32 = vector.load %arg4[%get3A_30, %get3A_31] : memref<1x128xf32, #tpu.memory_space<vmem>>, vector<1x128xf32>
    %get3A_33 = vector.shape_cast %get3A_32 : vector<1x128xf32> to vector<128xf32>
    %broadcast_in_dim3A = vector.shape_cast %get3A_33 : vector<128xf32> to vector<1x128xf32>
    %add3A_34 = vector.broadcast %broadcast_in_dim3A : vector<1x128xf32> to vector<1000x128xf32>
    %add3A_35 = arith.addf %mul3A_29, %add3A_34 : vector<1000x128xf32>
    %reduce_max3A = arith.constant dense<0xFF800000> : vector<1000xf32>
    %reduce_max3A_36 = vector.multi_reduction <maximumf>, %add3A_35, %reduce_max3A [1] : vector<1000x128xf32> to vector<1000xf32>
    %broadcast_in_dim3A_37 = vector.shape_cast %reduce_max3A_36 : vector<1000xf32> to vector<1000x1xf32>
    %sub3A = vector.broadcast %broadcast_in_dim3A_37 : vector<1000x1xf32> to vector<1000x128xf32>
    %sub3A_38 = arith.subf %add3A_35, %sub3A : vector<1000x128xf32>
    %exp3A = math.exp %sub3A_38 : vector<1000x128xf32>
    %sub3A_39 = vector.broadcast %broadcast_in_dim3A_37 : vector<1000x1xf32> to vector<1000x128xf32>
    %sub3A_40 = arith.subf %add3A_35, %sub3A_39 : vector<1000x128xf32>
    %reduce_sum3A = arith.constant dense<0.000000e+00> : vector<1000xf32>
    %reduce_sum3A_41 = vector.multi_reduction <add>, %exp3A, %reduce_sum3A [1] : vector<1000x128xf32> to vector<1000xf32>
    %broadcast_in_dim3A_42 = vector.shape_cast %reduce_sum3A_41 : vector<1000xf32> to vector<1000x1xf32>
    %log3A = math.log %broadcast_in_dim3A_42 : vector<1000x1xf32>
    %sub3A_43 = vector.broadcast %log3A : vector<1000x1xf32> to vector<1000x128xf32>
    %sub3A_44 = arith.subf %sub3A_40, %sub3A_43 : vector<1000x128xf32>
    %swap3A = arith.constant 0 : index
    %swap3A_45 = arith.constant 0 : index
    %swap3A_46 = vector.load %arg5[%swap3A, %swap3A_45] : memref<1000x128xf32, #tpu.memory_space<vmem>>, vector<1000x128xf32>
    tpu.vector_store %arg5[%swap3A, %swap3A_45], %sub3A_44 {strides = array<i32>} : memref<1000x128xf32, #tpu.memory_space<vmem>>, vector<1000x128xf32>,
    return
  }
  func.func @transform_0(%arg0: i32) -> (i32, i32, i32) {
    %c0_i32 = arith.constant 0 : i32
    %c0_i32_0 = arith.constant 0 : i32
    %c0_i32_1 = arith.constant 0 : i32
    return %c0_i32, %arg0, %c0_i32_0 : i32, i32, i32
  }
  func.func @transform_1(%arg0: i32) -> (i32, i32) {
    %c0_i32 = arith.constant 0 : i32
    %c0_i32_0 = arith.constant 0 : i32
    return %arg0, %c0_i32 : i32, i32
  }
  func.func @transform_2(%arg0: i32) -> (i32, i32, i32) {
    %c0_i32 = arith.constant 0 : i32
    %c0_i32_0 = arith.constant 0 : i32
    %c0_i32_1 = arith.constant 0 : i32
    return %c0_i32, %arg0, %c0_i32_0 : i32, i32, i32
  }
  func.func @transform_3(%arg0: i32) -> (i32, i32) {
    %c0_i32 = arith.constant 0 : i32
    %c0_i32_0 = arith.constant 0 : i32
    %c0_i32_1 = arith.constant 0 : i32
    return %c0_i32, %c0_i32_0 : i32, i32
  }
  func.func @transform_4(%arg0: i32) -> (i32, i32) {
    %c0_i32 = arith.constant 0 : i32
    %c0_i32_0 = arith.constant 0 : i32
    return %arg0, %c0_i32 : i32, i32
  }
}

</mosaic_0001>

<sc_bundles>
// kernel: kernel.12.cloned.1.call-start
scs
__scs_entry_jumppad:
0x0: {  	(pc) =	sbr.rel $0x88, $3  }
0x1: {  	(tag) =	ssettag $0x0;
	lr =	simm.s32 $0x1  }
0x2: {  	[smem:$0x3F9B] =	sst lr;
	_ =	strace $0xD0000000  }
0x3: {  	_ = 	snop  }
0x4: {  	_ = 	snop  }
0x5: {  	_ = 	snop  }
0x6: {  	_ = 	snop  }
0x7: {  	_ = 	snop  }
__scs_overlays_trampoline_lowered:
0x8: {  	[smem:$0x3FAA] =	sst s0  }
0x9: {  	[smem:$0x3FAB] =	sst s1  }
0xa: {  	[smem:$0x3FAC] =	sst s2  }
0xb: {  	[smem:$0x3FAD] =	sst s3  }
0xc: {  	[smem:$0x3FAE] =	sst s4  }
0xd: {  	[smem:$0x3FAF] =	sst s5  }
0xe: {  	[smem:$0x3FB0] =	sst s6  }
0xf: {  	[smem:$0x3FB1] =	sst s7  }
0x10: {  	[smem:$0x3FB2] =	sst s8  }
0x11: {  	[smem:$0x3FB3] =	sst s9;
	s0 =	simm.s32 @!p0 $0x0  }
0x12: {  	s1 =	sld [smem:$0x3F99];
	s0 =	simm.s32 @p0 $0x1  }
0x13: {  	[smem:$0x3FB4] =	sst s0;
	s0 =	simm.s32 @!p1 $0x0  }
0x14: {  	s2 =	sld [smem:$0x3F98];
	s0 =	simm.s32 @p1 $0x1  }
0x15: {  	[smem:$0x3FB5] =	sst s0;
	s0 =	simm.s32 @!p2 $0x0  }
0x16: {  	s3 =	sld [smem:$0x3FDB];
	s0 =	simm.s32 @p2 $0x1  }
0x17: {  	s4 =	simm.s32 $0x1BF5;
	[smem:$0x3FB7] =	sst s0  }
0x18: {  	s0 =	sld [smem:$0x3F9A];
	_ =	swait.ge [sflag:s4], $0x0  }
0x19: {  	s7 =	sld [smem:$0x3F9B]  }
0x1a: {  	s8 =	sadd.s32 $0xFFFFE003, lr  }
0x1b: {  	s9 =	sadd.s32 $0xFFFFFEF7, lr;
	s5 =	simm.s32 $0xFFFFFFFF;
	p2 =	slt.u32 s8, $0xFFFFF086  }
0x1c: {  	p1 =	slt.u32 s9, $0xF7A;
	s5 =	simm.s32 @!p2 $0x0  }
0x1d: {  	s5 =	simm.s32 @p1 $0x1;
	p0 =	seq.s32 s7, s2  }
0x1e: {  	s7 =	smul.u32 @!p0 $0xF7A, s2;
	p2 =	seq.s32 @!p0 s5, $0x0  }
0x1f: {  	s9 =	smul.u32 $0xF7A, s1;
	s8 =	simm.s32 @!p0 $0x1BF5;
	p2 =	por !p2, p0  }
0x20: {  	[sflag:s8] =	ssyncset.s32 @!p0 $0xFFFFF086;
	s6 =	sadd.s32 @!p0 s3, s7;
	s7 =	simm.s32 @!p0 $0x108  }
0x21: {  	s3 =	sadd.s32 s3, s9;
	s6 =	sadd.s32 @!p0 $0x88, s6;
	s7 =	simm.s32 @p2 $0x1082  }
0x22: {  	[simem:s7], [sflag:s8] =	dma.local @!p0 [hbm:s6], $0xF7A  }
0x23: {  	s9 =	sor.u32 $0xD0000000, s2;
	s6 =	simm.s32 $0x108;
	_ =	swait.ge @!p0 [sflag:s8], $0x0  }
0x24: {  	s3 =	sadd.s32 $0x88, s3;
	s6 =	simm.s32 @!p1 $0x1082;
	[sflag:s4] =	ssyncset.s32 $0xFFFFF086  }
0x25: {  	[simem:s6], [sflag:s4] =	dma.local [hbm:s3], $0xF7A  }
0x26: {  	[smem:$0x3F9B] =	sst s1;
	(tag) =	ssettag s2;
	_ =	strace s9  }
0x27: {  	s1 =	sld [smem:$0x3FAB]  }
0x28: {  	s2 =	sld [smem:$0x3FAC]  }
0x29: {  	s4 =	sld [smem:$0x3FAE]  }
0x2a: {  	p0 =	seq.s32 s5, $0x0;
	s5 =	sld [smem:$0x3FAF]  }
0x2b: {  	s6 =	sld [smem:$0x3FB0]  }
0x2c: {  	s7 =	sld [smem:$0x3FB1]  }
0x2d: {  	s3 =	simm.s32 $0x108;
	s8 =	sld [smem:$0x3FB2]  }
0x2e: {  	s3 =	simm.s32 @!p0 $0x1082;
	s9 =	sld [smem:$0x3FB3]  }
0x2f: {  	lr =	sadd.s32 s0, s3;
	s0 =	sld [smem:$0x3FAA]  }
0x30: {  	s3 =	sld [smem:$0x3FAD]  }
0x31: {  	[smem:$0x3FB6] =	sst s10  }
0x32: {  	s10 =	sld [smem:$0x3FB4];
	_ =	sdelay $0x3  }
0x33: {  	p0 =	seq.s32 s10, $0x1;
	s10 =	sld [smem:$0x3FB6];
	_ =	sdelay $0x3  }
0x34: {  	[smem:$0x3FB6] =	sst s10  }
0x35: {  	s10 =	sld [smem:$0x3FB5];
	_ =	sdelay $0x3  }
0x36: {  	p1 =	seq.s32 s10, $0x1;
	s10 =	sld [smem:$0x3FB6];
	_ =	sdelay $0x3  }
0x37: {  	[smem:$0x3FB6] =	sst s10  }
0x38: {  	s10 =	sld [smem:$0x3FB7]  }
0x39: {  	_ = 	snop;
	(pc) =	sbr.ind lr, $3  }
0x3a: {  	_ = 	snop  }
0x3b: {  	_ = 	snop  }
0x3c: {  	p2 =	seq.s32 s10, $0x1;
	s10 =	sld [smem:$0x3FB6]  }
0x3d: {  	_ =	shalt  }
0x3e: {  	_ =	shalt  }
0x3f: {  	_ =	shalt  }
0x40: {  	_ =	shalt  }
0x41: {  	_ =	shalt  }
0x42: {  	_ =	shalt  }
0x43: {  	_ =	shalt  }
0x44: {  	_ =	shalt  }
0x45: {  	_ =	shalt  }
0x46: {  	_ =	shalt  }
0x47: {  	_ =	shalt  }
0x48: {  	_ =	shalt  }
0x49: {  	_ =	shalt  }
0x4a: {  	_ =	shalt  }
0x4b: {  	_ =	shalt  }
0x4c: {  	_ =	shalt  }
0x4d: {  	_ =	shalt  }
0x4e: {  	_ =	shalt  }
0x4f: {  	_ =	shalt  }
0x50: {  	_ =	shalt  }
0x51: {  	_ =	shalt  }
0x52: {  	_ =	shalt  }
0x53: {  	_ =	shalt  }
0x54: {  	_ =	shalt  }
0x55: {  	_ =	shalt  }
0x56: {  	_ =	shalt  }
0x57: {  	_ =	shalt  }
0x58: {  	_ =	shalt  }
0x59: {  	_ =	shalt  }
0x5a: {  	_ =	shalt  }
0x5b: {  	_ =	shalt  }
0x5c: {  	_ =	shalt  }
0x5d: {  	_ =	shalt  }
0x5e: {  	_ =	shalt  }
0x5f: {  	_ =	shalt  }
0x60: {  	_ =	shalt  }
0x61: {  	_ =	shalt  }
0x62: {  	_ =	shalt  }
0x63: {  	_ =	shalt  }
0x64: {  	_ =	shalt  }
0x65: {  	_ =	shalt  }
0x66: {  	_ =	shalt  }
0x67: {  	_ =	shalt  }
0x68: {  	_ =	shalt  }
0x69: {  	_ =	shalt  }
0x6a: {  	_ =	shalt  }
0x6b: {  	_ =	shalt  }
0x6c: {  	_ =	shalt  }
0x6d: {  	_ =	shalt  }
0x6e: {  	_ =	shalt  }
0x6f: {  	_ =	shalt  }
0x70: {  	_ =	shalt  }
0x71: {  	_ =	shalt  }
0x72: {  	_ =	shalt  }
0x73: {  	_ =	shalt  }
0x74: {  	_ =	shalt  }
0x75: {  	_ =	shalt  }
0x76: {  	_ =	shalt  }
0x77: {  	_ =	shalt  }
0x78: {  	_ =	shalt  }
0x79: {  	_ =	shalt  }
0x7a: {  	_ =	shalt  }
0x7b: {  	_ =	shalt  }
0x7c: {  	_ =	shalt  }
0x7d: {  	_ =	shalt  }
0x7e: {  	_ =	shalt  }
0x7f: {  	_ =	shalt  }
0x80: {  	_ =	shalt  }
0x81: {  	_ =	shalt  }
0x82: {  	_ =	shalt  }
0x83: {  	_ =	shalt  }
0x84: {  	_ =	shalt  }
0x85: {  	_ =	shalt  }
0x86: {  	_ =	shalt  }
0x87: {  	_ =	shalt  }
.Lfunc_end0:
.L_simem_size_0:
called_computation.1_lowered:
.L_overlay_start_0:
0x88: {  	s2 =	sld [smem:$0x3FD9]  }
0x89: {  	s3 =	sld [smem:$0x3FFE];
	_ =	sdelay $0x1  }
0x8a: {  	s1 =	srdreg.scid  }
0x8b: {  	s0 =	sand.u32 $0x1, s1  }
0x8c: {  	s17 =	sshll.u32 s0, $0xA;
	s2 =	sadd.s32 s3, s2  }
0x8d: {  	s2 =	sadd.s32 s2, s17  }
0x8e: {  	[smem:$0x3FC2] =	sst s2  }
0x8f: {  	_ = 	snop  }
0x90: {  	(tm) =	ssettm $0x1  }
0x91: {  	s18 =	sld [smem:$0x3FFB];
	_ =	sdelay $0x3  }
0x92: {  	_ =	strace s18  }
0x93: {  	s2 =	sld [smem:$0x3FFC];
	_ =	sdelay $0x3  }
0x94: {  	_ =	strace s2  }
0x95: {  	s2 =	sld [smem:$0x3FFD];
	_ =	sdelay $0x3  }
0x96: {  	_ =	strace s2  }
0x97: {  	_ =	strace $0x8FFFFFFF  }
0x98: {  	s19 =	sld [smem:$0x3FDB];
	_ =	sdelay $0x1  }
0x99: {  	s20 =	simm.s32 $_scs_section_size  }
0x9a: {  	s4 =	simm.s32 $_size__tile_overlayer_lowered;
	s5 =	simm.s32 $_tile_overlayer_lowered  }
0x9b: {  	s6 =	simm.s32 $0x1BFF;
	s21 =	sshll.u32 s5, $0x1;
	s3 =	sadd.s32 s20, s19  }
0x9c: {  	s22 =	simm.s32 $0x0;
	s4 =	sshll.u32 s4, $0x1;
	s5 =	sadd.s32 s21, s3  }
0x9d: {  	[timem:s22], [sflag:s6] =	dma.local [hbm:s5], s4  }
0x9e: {  	_ =	swait.ge [sflag:s6], s4  }
0x9f: {  	s4 =	ssub.s32 $0x0, s4;
	[sflag:s6] =	ssyncset.done $0x0  }
0xa0: {  	[sflag:s6] =	ssyncadd.s32 s4;
	_ =	sdelay $0x1  }
0xa1: {  	s23 =	simm.s32 $0x1B8B  }
0xa2: {  	_ =	swait.ge [sflag:s23], $0x1  }
0xa3: {  	[sflag:s23] =	ssyncset.done $0x0  }
0xa4: {  	[sflag:s23] =	ssyncadd.s32 $0xFFFFFFFF  }
0xa5: {  	s4 =	sld [smem:$0x0]  }
0xa6: {  	s5 =	sand.u32 $0xFFFFFFFE, s1  }
0xa7: {  	p0 =	sne.s32 s1, s5  }
0xa8: {  	s5 =	sshll.u32 @p0 s5, $0xE  }
0xa9: {  	s5 =	sadd.s32 @p0 $0x11B8D, s5;
	s6 =	sshll.u32 @p0 s4, $0x11  }
0xaa: {  	s5 =	sor.u32 @p0 s6, s5  }
0xab: {  	[sflag:s5] =	ssyncadd.remote.s32 @p0 $0x1;
	_ =	sdelay $0x1  }
0xac: {  	s5 =	simm.s32 @p0 $0x1B8D  }
0xad: {  	_ =	swait.eq @p0 [sflag:s5], $0x1  }
0xae: {  	[sflag:s5] =	ssyncadd.s32 @p0 $0xFFFFFFFF  }
0xaf: {  	s6 =	sshll.u32 @!p0 s1, $0xE  }
0xb0: {  	s6 =	sor.u32 @!p0 $0x4000, s6;
	s5 =	simm.s32 @!p0 $0x1B8D  }
0xb1: {  	s4 =	sshll.u32 @!p0 s4, $0x11;
	s6 =	sadd.s32 @!p0 $0x11B8D, s6;
	_ =	swait.eq @!p0 [sflag:s5], $0x1  }
0xb2: {  	s4 =	sor.u32 @!p0 s4, s6;
	[sflag:s5] =	ssyncadd.s32 @!p0 $0xFFFFFFFF  }
0xb3: {  	s25 =	simm.s32 $0x1B8E;
	s24 =	sld [smem:$0x3FFE];
	[sflag:s4] =	ssyncadd.remote.s32 @!p0 $0x1  }
0xb4: {  	s26 =	simm.s32 $execute0_lowered;
	[smem:$0x3FD2] =	sst s25  }
0xb5: {  	s5 =	sshll.u32 s26, $0x1;
	_ =	strace $0x8000004C;
	[dreg:$0x1] =	wrdreg $0xFFFFFFFF  }
0xb6: {  	s28 =	simm.s32 $_size_execute0_lowered;
	s3 =	sadd.s32 s3, s5;
	[dreg:$0x0] =	wrdreg $0x0  }
0xb7: {  	s5 =	sshll.u32 s28, $0x1;
	[dreg:$0x2] =	wrdreg s3  }
0xb8: {  	[dreg:$0x3] =	wrdreg s5  }
0xb9: {  	[dreg:$0x4] =	wrdreg $0xC0  }
0xba: {  	_ =	task [dreg:s22], $0x5FFFF  }
0xbb: {  	[dreg:$0x1] =	wrdreg $0xFFFFFFFF  }
0xbc: {  	[dreg:$0x0] =	wrdreg $0x60  }
0xbd: {  	[dreg:$0x2] =	wrdreg s24  }
0xbe: {  	[dreg:$0x3] =	wrdreg $0x90000  }
0xbf: {  	[dreg:$0x4] =	wrdreg $0x9  }
0xc0: {  	_ =	task.clear_ibuf [dreg:s22], $0x5FFFF;
	_ =	strace $0x9000004C  }
0xc1: {  	s29 =	simm.s32 $0x9;
	_ =	strace $0x8000004E  }
0xc2: {  	_ =	swait.ge [sflag:s29], $0x1  }
0xc3: {  	[sflag:s29] =	ssyncadd.s32 $0xFFFFFFFF  }
0xc4: {  	_ =	strace $0x9000004E  }
0xc5: {  	_ =	sfence  }
0xc6: {  	s30 =	sld [smem:$0x0];
	_ =	sdelay $0x2  }
0xc7: {  	s31 =	sshll.u32 s1, $0xD;
	s1 =	sshrl.u32 s1, $0x2  }
0xc8: {  	s4 =	sand.u32 $0x4000, s31;
	s1 =	sadd.s32 s1, s30  }
0xc9: {  	s0 =	sor.u32 s4, s0;
	s1 =	sshll.u32 s1, $0x11  }
0xca: {  	s0 =	sor.u32 s1, s0  }
0xcb: {  	s0 =	sadd.s32 $0x8F2B, s0  }
0xcc: {  	[sflag:s0] =	ssyncadd.remote.s32 $0x1  }
0xcd: {  	_ =	sfence.sel $0xFFFF  }
0xce: {  	[dreg:$0x0] =	wrdreg $0xFFFFFFFF;
	(pc) =	sbr.abs _section_cstart, $3  }
0xcf: {  	[dreg:$0x1] =	wrdreg $0xFFFFFFFF  }
0xd0: {  	_ =	task.clear_ibuf [dreg:s22], $0x2FFFF;
	_ =	strace $0x9FFFFFFF  }
0xd1: {  	(tm) =	ssettm $0x7FFFFFFF  }
tec
execute0_lowered:
.L_overlay_start_1:
0x0: {  	(tag) =	ssettag $0x1  }
0x1: {  	s0 =	srdreg.scid;
	s6 =	rddreg [dreg:$0x0]  }
0x2: {  	s2 =	rddreg [dreg:$0x1];
	s3 =	simm.s32 $0x0;
	s11 =	simm.s32 $0x2800  }
0x3: {  	s14 =	simm.s32 $0x80;
	s15 =	simm.s32 $0x5000;
	s5 =	sand.u32 $0x1, s0  }
0x4: {  	s16 =	simm.s32 $0x0;
	s0 =	stileid.u32;
	s8 =	smul.u32 $0x13C000, s5  }
0x5: {  	[smem:$0x7FF] =	sst s3;
	s4 =	sadd.s32 $0x66200, s6;
	s9 =	smul.u32 $0x13C00, s0  }
0x6: {  	s1 =	sshll.u32 s5, $0x4;
	s30 =	ssub.s32 $0x2, s5;
	s10 =	smul.u32 $0x4F000, s0  }
0x7: {  	s5 =	sadd.s32 $0x8D400, s6;
	s12 =	sshll.u32 s0, $0x6;
	s1 =	sor.u32 s0, s1  }
0x8: {  	s31 =	sshrl.u32 s30, $0x1;
	s12 =	sor.u32 $0x1C01, s12;
	s7 =	smul.u32 $0x500, s1  }
0x9: {  	s1 =	rddreg [dreg:$0x2];
	_ =	strace $0x8000004D;
	s8 =	sadd.s32 s9, s8  }
0xa: {  	s9 =	ssub.s32 s30, s31;
	s10 =	sshrl.u32 s10, $0x2;
	s8 =	sshrl.u32 s8, $0x3  }
0xb: {  	s13 =	sadd.s32 s10, s2;
	s9 =	smax.u32 s9, $0x1;
	s10 =	simm.s32 $0x1  }
0xc: {  	s7 =	sadd.s32 s7, s6;
	s8 =	sadd.s32 s8, s6;
	s13 =	sshrl.u32 s13, $0x3  }
0xd: {  	s6 =	sadd.s32 $0xC200, s7;
	s7 =	sadd.s32 $0x2000, s7;
	s8 =	sadd.s32 $0xDEC00, s8  }
.LBB2_1:
0xe: {  	[tilespmem:s3], [sflag:$0x1] =	stream.linear.gather [hbm4b:s6+s3], $0x2800, $0x38;
	[tilespmem:$0x1CC00] =	vst v63  }
0xf: {  	_ =	swait.ge [sflag:s10], $0x2800  }
0x10: {  	[sflag:s10] =	ssyncset.done $0x0  }
0x11: {  	[sflag:s10] =	ssyncadd.s32 $0xFFFFD800  }
0x12: {  	[tilespmem:s11], [sflag:$0x1] =	stream.linear.gather [hbm4b:s7+s3], $0x2800, $0x38;
	[tilespmem:$0x1CC00] =	vst v63  }
0x13: {  	_ =	swait.ge [sflag:s10], $0x2800  }
0x14: {  	[sflag:s10] =	ssyncset.done $0x0  }
0x15: {  	[sflag:s10] =	ssyncadd.s32 $0xFFFFD800  }
0x16: {  	[spmem:s13], [sflag:s12] =	dma.local [hbm:s5], $0x2780  }
0x17: {  	_ =	swait.ge [sflag:s10], $0x2780  }
0x18: {  	[sflag:s10] =	ssyncset.done $0x0  }
0x19: {  	[sflag:s10] =	ssyncadd.s32 $0xFFFFD880  }
0x1a: {  	s17 =	simm.s32 $0x0;
	[bflag:$0x0] =	sbarrier.arrive $0xFFFF  }
0x1b: {  	[tilespmem:s15], [sflag:$0x1] =	stream.indirect.gather [hbm4b:s4+s14], $0x80, s17, s14, $0xb8;
	[tilespmem:$0x1CC00] =	vst v63  }
0x1c: {  	_ =	swait.ge [sflag:s10], $0x4000  }
0x1d: {  	[sflag:s10] =	ssyncset.done $0x0  }
0x1e: {  	s31 =	simm.s32 $0x2800;
	[sflag:s10] =	ssyncadd.s32 $0xFFFFC000  }
0x1f: {  	[spmem:s2] =	stream.indirect.scatter.add.f32 [tilespmem:s15], [sflag:$0x1], $0x80, s31, s14, $0xb8;
	[tilespmem:$0x1CC00] =	vst v63  }
0x20: {  	_ =	swait.ge [sflag:s10], $0x4000  }
0x21: {  	s18 =	simm.s32 $0x400;
	s17 =	simm.s32 $0x200;
	[sflag:s10] =	ssyncset.done $0x0  }
.LBB2_2:
0x22: {  	s19 =	sshra.s32 s17, $0x2  }
0x23: {  	[sflag:s10] =	ssyncadd.s32 $0xFFFFC000;
	s17 =	smov.u32 s18;
	s20 =	sadd.s32 $0x200, s18  }
0x24: {  	[tilespmem:s15], [sflag:$0x1] =	stream.indirect.gather [hbm4b:s4+s14], $0x80, s19, s14, $0xb8;
	[tilespmem:$0x1CC00] =	vst v63  }
0x25: {  	p0 =	sne.s32 s18, $0x9E00;
	_ =	swait.ge [sflag:s10], $0x4000  }
.Ltmp0:
0x26: {  	[sflag:s10] =	ssyncset.done $0x0;
	(pc) =	sbr.rel @p0 .LBB2_2-.Ltmp0, $4  }
0x27: {  	s18 =	sadd.s32 $0x2800, s19;
	[sflag:s10] =	ssyncadd.s32 $0xFFFFC000  }
0x28: {  	[spmem:s2] =	stream.indirect.scatter.add.f32 [tilespmem:s15], [sflag:$0x1], $0x80, s18, s14, $0xb8;
	[tilespmem:$0x1CC00] =	vst v63  }
0x29: {  	_ =	swait.ge [sflag:s10], $0x4000  }
0x2a: {  	s18 =	smov.u32 s20;
	[sflag:s10] =	ssyncset.done $0x0  }
0x2b: {  	s17 =	sshra.s32 s17, $0x2;
	[sflag:s10] =	ssyncadd.s32 $0xFFFFC000  }
0x2c: {  	[tilespmem:s15], [sflag:$0x1] =	stream.indirect.gather [hbm4b:s4+s14], $0x80, s17, s14, $0xb8;
	[tilespmem:$0x1CC00] =	vst v63  }
0x2d: {  	_ =	swait.ge [sflag:s10], $0x4000  }
0x2e: {  	[sflag:s10] =	ssyncset.done $0x0  }
0x2f: {  	s17 =	sadd.s32 $0x2800, s17;
	[sflag:s10] =	ssyncadd.s32 $0xFFFFC000  }
0x30: {  	[spmem:s2] =	stream.indirect.scatter.add.f32 [tilespmem:s15], [sflag:$0x1], $0x80, s17, s14, $0xb8;
	[tilespmem:$0x1CC00] =	vst v63  }
0x31: {  	_ =	swait.ge [sflag:s10], $0x4000  }
0x32: {  	s16 =	sadd.s32 $0x1, s16;
	[sflag:s10] =	ssyncset.done $0x0  }
0x33: {  	p0 =	sne.s32 s16, s9;
	[sflag:s10] =	ssyncadd.s32 $0xFFFFC000  }
.Ltmp1:
0x34: {  	[bflag:$0x0] =	sbarrier.arrive $0xFFFF;
	(pc) =	sbr.rel @p0 .LBB2_1-.Ltmp1, $4  }
0x35: {  	[hbm:s8], [sflag:s12] =	dma.local [spmem:s13], $0x2780  }
0x36: {  	_ =	swait.ge [sflag:s10], $0x2780  }
0x37: {  	[sflag:s10] =	ssyncset.done $0x0  }
0x38: {  	[sflag:s10] =	ssyncadd.s32 $0xFFFFD880  }
0x39: {  	_ =	sfence.sel $0x180000  }
0x3a: {  	[bflag:$0x0] =	sbarrier.arrive $0xFFFF  }
0x3b: {  	p0 =	sne.s32 s0, $0x0;
	_ =	strace $0x9000004D  }
0x3c: {  	s0 =	sadd.s32 @!p0 $0x100000, s1;
	[bflag:$0x2] =	sbarrier.arrive $0xFFFF  }
0x3d: {  	[sflag:s0] =	ssyncadd.tile.s32 @!p0 $0x1;
	_ =	shalt  }
.Lfunc_end2:
_tile_overlayer_lowered:
.L_overlay_start_2:
0x3e: {  	(tag) =	ssettag $0x2  }
0x3f: {  	s0 =	rddreg [dreg:$0x0];
	s2 =	stileid.u32  }
0x40: {  	s1 =	rddreg [dreg:$0x1];
	p0 =	sne.s32 s2, $0x0  }
0x41: {  	s3 =	rddreg [dreg:$0x2];
	[bflag:$0x3] =	sbarrier.arrive $0xFFFF;
	s2 =	simm.s32 @!p0 $0x1C01  }
0x42: {  	[timem:s3], [sflag:s2] =	dma.local @!p0 [hbm:s0], s1  }
0x43: {  	s0 =	simm.s32 @!p0 $0x1  }
0x44: {  	_ =	swait.ge @!p0 [sflag:s0], s1  }
0x45: {  	s1 =	ssub.s32 @!p0 $0x0, s1;
	[sflag:s0] =	ssyncset.done @!p0 $0x0  }
0x46: {  	[sflag:s0] =	ssyncadd.s32 @!p0 s1  }
0x47: {  	[bflag:$0x3] =	sbarrier.arrive $0xFFFF  }
0x48: {  	_ =	shalt  }

// kernel: kernel.15.cloned.1.call-start
scs
__scs_entry_jumppad:
0x0: {  	(pc) =	sbr.rel $0x88, $3  }
0x1: {  	(tag) =	ssettag $0x0;
	lr =	simm.s32 $0x1  }
0x2: {  	[smem:$0x3F9B] =	sst lr;
	_ =	strace $0xD0000000  }
0x3: {  	_ = 	snop  }
0x4: {  	_ = 	snop  }
0x5: {  	_ = 	snop  }
0x6: {  	_ = 	snop  }
0x7: {  	_ = 	snop  }
__scs_overlays_trampoline_lowered:
0x8: {  	[smem:$0x3FAA] =	sst s0  }
0x9: {  	[smem:$0x3FAB] =	sst s1  }
0xa: {  	[smem:$0x3FAC] =	sst s2  }
0xb: {  	[smem:$0x3FAD] =	sst s3  }
0xc: {  	[smem:$0x3FAE] =	sst s4  }
0xd: {  	[smem:$0x3FAF] =	sst s5  }
0xe: {  	[smem:$0x3FB0] =	sst s6  }
0xf: {  	[smem:$0x3FB1] =	sst s7  }
0x10: {  	[smem:$0x3FB2] =	sst s8  }
0x11: {  	[smem:$0x3FB3] =	sst s9;
	s0 =	simm.s32 @!p0 $0x0  }
0x12: {  	s1 =	sld [smem:$0x3F99];
	s0 =	simm.s32 @p0 $0x1  }
0x13: {  	[smem:$0x3FB4] =	sst s0;
	s0 =	simm.s32 @!p1 $0x0  }
0x14: {  	s2 =	sld [smem:$0x3F98];
	s0 =	simm.s32 @p1 $0x1  }
0x15: {  	[smem:$0x3FB5] =	sst s0;
	s0 =	simm.s32 @!p2 $0x0  }
0x16: {  	s3 =	sld [smem:$0x3FDB];
	s0 =	simm.s32 @p2 $0x1  }
0x17: {  	s4 =	simm.s32 $0x1BF5;
	[smem:$0x3FB7] =	sst s0  }
0x18: {  	s0 =	sld [smem:$0x3F9A];
	_ =	swait.ge [sflag:s4], $0x0  }
0x19: {  	s7 =	sld [smem:$0x3F9B]  }
0x1a: {  	s8 =	sadd.s32 $0xFFFFE003, lr  }
0x1b: {  	s9 =	sadd.s32 $0xFFFFFEF7, lr;
	s5 =	simm.s32 $0xFFFFFFFF;
	p2 =	slt.u32 s8, $0xFFFFF086  }
0x1c: {  	p1 =	slt.u32 s9, $0xF7A;
	s5 =	simm.s32 @!p2 $0x0  }
0x1d: {  	s5 =	simm.s32 @p1 $0x1;
	p0 =	seq.s32 s7, s2  }
0x1e: {  	s7 =	smul.u32 @!p0 $0xF7A, s2;
	p2 =	seq.s32 @!p0 s5, $0x0  }
0x1f: {  	s9 =	smul.u32 $0xF7A, s1;
	s8 =	simm.s32 @!p0 $0x1BF5;
	p2 =	por !p2, p0  }
0x20: {  	[sflag:s8] =	ssyncset.s32 @!p0 $0xFFFFF086;
	s6 =	sadd.s32 @!p0 s3, s7;
	s7 =	simm.s32 @!p0 $0x108  }
0x21: {  	s3 =	sadd.s32 s3, s9;
	s6 =	sadd.s32 @!p0 $0x88, s6;
	s7 =	simm.s32 @p2 $0x1082  }
0x22: {  	[simem:s7], [sflag:s8] =	dma.local @!p0 [hbm:s6], $0xF7A  }
0x23: {  	s9 =	sor.u32 $0xD0000000, s2;
	s6 =	simm.s32 $0x108;
	_ =	swait.ge @!p0 [sflag:s8], $0x0  }
0x24: {  	s3 =	sadd.s32 $0x88, s3;
	s6 =	simm.s32 @!p1 $0x1082;
	[sflag:s4] =	ssyncset.s32 $0xFFFFF086  }
0x25: {  	[simem:s6], [sflag:s4] =	dma.local [hbm:s3], $0xF7A  }
0x26: {  	[smem:$0x3F9B] =	sst s1;
	(tag) =	ssettag s2;
	_ =	strace s9  }
0x27: {  	s1 =	sld [smem:$0x3FAB]  }
0x28: {  	s2 =	sld [smem:$0x3FAC]  }
0x29: {  	s4 =	sld [smem:$0x3FAE]  }
0x2a: {  	p0 =	seq.s32 s5, $0x0;
	s5 =	sld [smem:$0x3FAF]  }
0x2b: {  	s6 =	sld [smem:$0x3FB0]  }
0x2c: {  	s7 =	sld [smem:$0x3FB1]  }
0x2d: {  	s3 =	simm.s32 $0x108;
	s8 =	sld [smem:$0x3FB2]  }
0x2e: {  	s3 =	simm.s32 @!p0 $0x1082;
	s9 =	sld [smem:$0x3FB3]  }
0x2f: {  	lr =	sadd.s32 s0, s3;
	s0 =	sld [smem:$0x3FAA]  }
0x30: {  	s3 =	sld [smem:$0x3FAD]  }
0x31: {  	[smem:$0x3FB6] =	sst s10  }
0x32: {  	s10 =	sld [smem:$0x3FB4];
	_ =	sdelay $0x3  }
0x33: {  	p0 =	seq.s32 s10, $0x1;
	s10 =	sld [smem:$0x3FB6];
	_ =	sdelay $0x3  }
0x34: {  	[smem:$0x3FB6] =	sst s10  }
0x35: {  	s10 =	sld [smem:$0x3FB5];
	_ =	sdelay $0x3  }
0x36: {  	p1 =	seq.s32 s10, $0x1;
	s10 =	sld [smem:$0x3FB6];
	_ =	sdelay $0x3  }
0x37: {  	[smem:$0x3FB6] =	sst s10  }
0x38: {  	s10 =	sld [smem:$0x3FB7]  }
0x39: {  	_ = 	snop;
	(pc) =	sbr.ind lr, $3  }
0x3a: {  	_ = 	snop  }
0x3b: {  	_ = 	snop  }
0x3c: {  	p2 =	seq.s32 s10, $0x1;
	s10 =	sld [smem:$0x3FB6]  }
0x3d: {  	_ =	shalt  }
0x3e: {  	_ =	shalt  }
0x3f: {  	_ =	shalt  }
0x40: {  	_ =	shalt  }
0x41: {  	_ =	shalt  }
0x42: {  	_ =	shalt  }
0x43: {  	_ =	shalt  }
0x44: {  	_ =	shalt  }
0x45: {  	_ =	shalt  }
0x46: {  	_ =	shalt  }
0x47: {  	_ =	shalt  }
0x48: {  	_ =	shalt  }
0x49: {  	_ =	shalt  }
0x4a: {  	_ =	shalt  }
0x4b: {  	_ =	shalt  }
0x4c: {  	_ =	shalt  }
0x4d: {  	_ =	shalt  }
0x4e: {  	_ =	shalt  }
0x4f: {  	_ =	shalt  }
0x50: {  	_ =	shalt  }
0x51: {  	_ =	shalt  }
0x52: {  	_ =	shalt  }
0x53: {  	_ =	shalt  }
0x54: {  	_ =	shalt  }
0x55: {  	_ =	shalt  }
0x56: {  	_ =	shalt  }
0x57: {  	_ =	shalt  }
0x58: {  	_ =	shalt  }
0x59: {  	_ =	shalt  }
0x5a: {  	_ =	shalt  }
0x5b: {  	_ =	shalt  }
0x5c: {  	_ =	shalt  }
0x5d: {  	_ =	shalt  }
0x5e: {  	_ =	shalt  }
0x5f: {  	_ =	shalt  }
0x60: {  	_ =	shalt  }
0x61: {  	_ =	shalt  }
0x62: {  	_ =	shalt  }
0x63: {  	_ =	shalt  }
0x64: {  	_ =	shalt  }
0x65: {  	_ =	shalt  }
0x66: {  	_ =	shalt  }
0x67: {  	_ =	shalt  }
0x68: {  	_ =	shalt  }
0x69: {  	_ =	shalt  }
0x6a: {  	_ =	shalt  }
0x6b: {  	_ =	shalt  }
0x6c: {  	_ =	shalt  }
0x6d: {  	_ =	shalt  }
0x6e: {  	_ =	shalt  }
0x6f: {  	_ =	shalt  }
0x70: {  	_ =	shalt  }
0x71: {  	_ =	shalt  }
0x72: {  	_ =	shalt  }
0x73: {  	_ =	shalt  }
0x74: {  	_ =	shalt  }
0x75: {  	_ =	shalt  }
0x76: {  	_ =	shalt  }
0x77: {  	_ =	shalt  }
0x78: {  	_ =	shalt  }
0x79: {  	_ =	shalt  }
0x7a: {  	_ =	shalt  }
0x7b: {  	_ =	shalt  }
0x7c: {  	_ =	shalt  }
0x7d: {  	_ =	shalt  }
0x7e: {  	_ =	shalt  }
0x7f: {  	_ =	shalt  }
0x80: {  	_ =	shalt  }
0x81: {  	_ =	shalt  }
0x82: {  	_ =	shalt  }
0x83: {  	_ =	shalt  }
0x84: {  	_ =	shalt  }
0x85: {  	_ =	shalt  }
0x86: {  	_ =	shalt  }
0x87: {  	_ =	shalt  }
.Lfunc_end0:
.L_simem_size_0:
called_computation.2_lowered:
.L_overlay_start_0:
0x88: {  	s2 =	sld [smem:$0x3FD9]  }
0x89: {  	s3 =	sld [smem:$0x3FFE];
	_ =	sdelay $0x1  }
0x8a: {  	s1 =	srdreg.scid  }
0x8b: {  	s0 =	sand.u32 $0x1, s1  }
0x8c: {  	s17 =	sshll.u32 s0, $0xA;
	s2 =	sadd.s32 s3, s2  }
0x8d: {  	s2 =	sadd.s32 s2, s17  }
0x8e: {  	[smem:$0x3FC2] =	sst s2  }
0x8f: {  	_ = 	snop  }
0x90: {  	s2 =	sld [smem:$0x3FD0];
	(tm) =	ssettm $0x1  }
0x91: {  	s18 =	sld [smem:$0x3FFB];
	_ =	sdelay $0x3  }
0x92: {  	_ =	strace s18  }
0x93: {  	s3 =	sld [smem:$0x3FFC];
	_ =	sdelay $0x3  }
0x94: {  	_ =	strace s3  }
0x95: {  	s3 =	sld [smem:$0x3FFD];
	_ =	sdelay $0x3  }
0x96: {  	_ =	strace s3  }
0x97: {  	_ =	strace $0x8FFFFFFF  }
0x98: {  	s19 =	sld [smem:$0x3FDB];
	_ =	sdelay $0x1  }
0x99: {  	s4 =	simm.s32 $_scs_section_size  }
0x9a: {  	s5 =	simm.s32 $_size__tile_overlayer_lowered;
	s6 =	simm.s32 $_tile_overlayer_lowered  }
0x9b: {  	s22 =	simm.s32 $0x1BFF;
	s21 =	sshll.u32 s6, $0x1;
	s3 =	sadd.s32 s4, s19  }
0x9c: {  	s7 =	simm.s32 $0x0;
	s20 =	sshll.u32 s5, $0x1;
	s5 =	sadd.s32 s21, s3  }
0x9d: {  	[timem:s7], [sflag:s22] =	dma.local [hbm:s5], s20  }
0x9e: {  	_ =	swait.ge [sflag:s22], s20  }
0x9f: {  	s4 =	ssub.s32 $0x0, s20;
	[sflag:s22] =	ssyncset.done $0x0  }
0xa0: {  	[sflag:s22] =	ssyncadd.s32 s4;
	_ =	sdelay $0x1  }
0xa1: {  	s23 =	simm.s32 $0x1B8B  }
0xa2: {  	_ =	swait.ge [sflag:s23], $0x1  }
0xa3: {  	[sflag:s23] =	ssyncset.done $0x0  }
0xa4: {  	s25 =	simm.s32 $0x1B8E;
	s24 =	sld [smem:$0x3FFE];
	[sflag:s23] =	ssyncadd.s32 $0xFFFFFFFF  }
0xa5: {  	s26 =	simm.s32 $execute0_lowered;
	[smem:$0x3FD2] =	sst s25  }
0xa6: {  	s5 =	sshll.u32 s26, $0x1;
	_ =	strace $0x80000049;
	[dreg:$0x1] =	wrdreg $0xFFFFFFFF  }
0xa7: {  	s28 =	simm.s32 $_size_execute0_lowered;
	s3 =	sadd.s32 s3, s5;
	[dreg:$0x0] =	wrdreg $0x0  }
0xa8: {  	s5 =	sshll.u32 s28, $0x1;
	[dreg:$0x2] =	wrdreg s3  }
0xa9: {  	[dreg:$0x3] =	wrdreg s5  }
0xaa: {  	[dreg:$0x4] =	wrdreg $0xC0  }
0xab: {  	_ =	task [dreg:s7], $0x5FFFF  }
0xac: {  	[dreg:$0x1] =	wrdreg $0xFFFFFFFF  }
0xad: {  	[dreg:$0x0] =	wrdreg $0x60  }
0xae: {  	[dreg:$0x2] =	wrdreg s2  }
0xaf: {  	[dreg:$0x3] =	wrdreg s24  }
0xb0: {  	[dreg:$0x4] =	wrdreg $0x90000  }
0xb1: {  	[dreg:$0x5] =	wrdreg $0xA  }
0xb2: {  	_ =	task.clear_ibuf [dreg:s7], $0x6FFFF;
	_ =	strace $0x90000049  }
0xb3: {  	s29 =	simm.s32 $0xA;
	_ =	strace $0x8000004B  }
0xb4: {  	_ =	swait.ge [sflag:s29], $0x1  }
0xb5: {  	[sflag:s29] =	ssyncadd.s32 $0xFFFFFFFF  }
0xb6: {  	_ =	strace $0x9000004B  }
0xb7: {  	_ =	sfence  }
0xb8: {  	s30 =	sld [smem:$0x0];
	_ =	sdelay $0x2  }
0xb9: {  	s31 =	sshll.u32 s1, $0xD;
	s1 =	sshrl.u32 s1, $0x2  }
0xba: {  	s3 =	sand.u32 $0x4000, s31;
	s1 =	sadd.s32 s1, s30  }
0xbb: {  	s0 =	sor.u32 s3, s0;
	s1 =	sshll.u32 s1, $0x11  }
0xbc: {  	s0 =	sor.u32 s1, s0  }
0xbd: {  	s0 =	sadd.s32 $0x8F2B, s0  }
0xbe: {  	[sflag:s0] =	ssyncadd.remote.s32 $0x1  }
0xbf: {  	_ =	sfence.sel $0xFFFF  }
0xc0: {  	[dreg:$0x0] =	wrdreg $0xFFFFFFFF;
	(pc) =	sbr.abs _section_cstart, $3  }
0xc1: {  	[dreg:$0x1] =	wrdreg $0xFFFFFFFF  }
0xc2: {  	_ =	task.clear_ibuf [dreg:s7], $0x2FFFF;
	_ =	strace $0x9FFFFFFF  }
0xc3: {  	(tm) =	ssettm $0x7FFFFFFF  }
tec
execute0_lowered:
.L_overlay_start_1:
0x0: {  	(tag) =	ssettag $0x1  }
0x1: {  	s2 =	rddreg [dreg:$0x0]  }
0x2: {  	s6 =	rddreg [dreg:$0x1]  }
0x3: {  	s0 =	srdreg.scid;
	s3 =	rddreg [dreg:$0x2];
	s4 =	simm.s32 $0x0  }
0x4: {  	s11 =	simm.s32 $0x2800;
	s14 =	simm.s32 $0x80;
	s5 =	sand.u32 $0x1, s0  }
0x5: {  	s15 =	simm.s32 $0x5000;
	s0 =	stileid.u32;
	s8 =	smul.u32 $0x13C000, s5  }
0x6: {  	s16 =	simm.s32 $0x0;
	[smem:$0x7FF] =	sst s4;
	s9 =	smul.u32 $0x13C00, s0  }
0x7: {  	s1 =	sshll.u32 s5, $0x4;
	s30 =	ssub.s32 $0x2, s5;
	s10 =	smul.u32 $0x4F000, s0  }
0x8: {  	s5 =	sadd.s32 $0x8D400, s6;
	s12 =	sshll.u32 s0, $0x6;
	s1 =	sor.u32 s0, s1  }
0x9: {  	s31 =	sshrl.u32 s30, $0x1;
	s12 =	sor.u32 $0x1C01, s12;
	s7 =	smul.u32 $0x500, s1  }
0xa: {  	s1 =	rddreg [dreg:$0x3];
	_ =	strace $0x8000004A;
	s8 =	sadd.s32 s9, s8  }
0xb: {  	s9 =	ssub.s32 s30, s31;
	s10 =	sshrl.u32 s10, $0x2;
	s8 =	sshrl.u32 s8, $0x3  }
0xc: {  	s13 =	sadd.s32 s10, s3;
	s9 =	smax.u32 s9, $0x1;
	s10 =	simm.s32 $0x1  }
0xd: {  	s7 =	sadd.s32 s7, s6;
	s8 =	sadd.s32 s8, s6;
	s13 =	sshrl.u32 s13, $0x3  }
0xe: {  	s6 =	sadd.s32 $0xC200, s7;
	s7 =	sadd.s32 $0x2000, s7;
	s8 =	sadd.s32 $0x8FC00, s8  }
.LBB2_1:
0xf: {  	[tilespmem:s4], [sflag:$0x1] =	stream.linear.gather [hbm4b:s6+s4], $0x2800, $0x38;
	[tilespmem:$0x1CC00] =	vst v63  }
0x10: {  	_ =	swait.ge [sflag:s10], $0x2800  }
0x11: {  	[sflag:s10] =	ssyncset.done $0x0  }
0x12: {  	[sflag:s10] =	ssyncadd.s32 $0xFFFFD800  }
0x13: {  	[tilespmem:s11], [sflag:$0x1] =	stream.linear.gather [hbm4b:s7+s4], $0x2800, $0x38;
	[tilespmem:$0x1CC00] =	vst v63  }
0x14: {  	_ =	swait.ge [sflag:s10], $0x2800  }
0x15: {  	[sflag:s10] =	ssyncset.done $0x0  }
0x16: {  	[sflag:s10] =	ssyncadd.s32 $0xFFFFD800  }
0x17: {  	[spmem:s13], [sflag:s12] =	dma.local [hbm:s5], $0x2780  }
0x18: {  	_ =	swait.ge [sflag:s10], $0x2780  }
0x19: {  	[sflag:s10] =	ssyncset.done $0x0  }
0x1a: {  	[sflag:s10] =	ssyncadd.s32 $0xFFFFD880  }
0x1b: {  	s17 =	simm.s32 $0x0;
	[bflag:$0x0] =	sbarrier.arrive $0xFFFF  }
0x1c: {  	[tilespmem:s15], [sflag:$0x1] =	stream.indirect.gather [hbm4b:s2+s14], $0x80, s17, s14, $0xb8;
	[tilespmem:$0x1CC00] =	vst v63  }
0x1d: {  	_ =	swait.ge [sflag:s10], $0x4000  }
0x1e: {  	[sflag:s10] =	ssyncset.done $0x0  }
0x1f: {  	s31 =	simm.s32 $0x2800;
	[sflag:s10] =	ssyncadd.s32 $0xFFFFC000  }
0x20: {  	[spmem:s3] =	stream.indirect.scatter.add.f32 [tilespmem:s15], [sflag:$0x1], $0x80, s31, s14, $0xb8;
	[tilespmem:$0x1CC00] =	vst v63  }
0x21: {  	_ =	swait.ge [sflag:s10], $0x4000  }
0x22: {  	s18 =	simm.s32 $0x400;
	s17 =	simm.s32 $0x200;
	[sflag:s10] =	ssyncset.done $0x0  }
.LBB2_2:
0x23: {  	s19 =	sshra.s32 s17, $0x2  }
0x24: {  	[sflag:s10] =	ssyncadd.s32 $0xFFFFC000;
	s17 =	smov.u32 s18;
	s20 =	sadd.s32 $0x200, s18  }
0x25: {  	[tilespmem:s15], [sflag:$0x1] =	stream.indirect.gather [hbm4b:s2+s14], $0x80, s19, s14, $0xb8;
	[tilespmem:$0x1CC00] =	vst v63  }
0x26: {  	p0 =	sne.s32 s18, $0x9E00;
	_ =	swait.ge [sflag:s10], $0x4000  }
.Ltmp0:
0x27: {  	[sflag:s10] =	ssyncset.done $0x0;
	(pc) =	sbr.rel @p0 .LBB2_2-.Ltmp0, $4  }
0x28: {  	s18 =	sadd.s32 $0x2800, s19;
	[sflag:s10] =	ssyncadd.s32 $0xFFFFC000  }
0x29: {  	[spmem:s3] =	stream.indirect.scatter.add.f32 [tilespmem:s15], [sflag:$0x1], $0x80, s18, s14, $0xb8;
	[tilespmem:$0x1CC00] =	vst v63  }
0x2a: {  	_ =	swait.ge [sflag:s10], $0x4000  }
0x2b: {  	s18 =	smov.u32 s20;
	[sflag:s10] =	ssyncset.done $0x0  }
0x2c: {  	s17 =	sshra.s32 s17, $0x2;
	[sflag:s10] =	ssyncadd.s32 $0xFFFFC000  }
0x2d: {  	[tilespmem:s15], [sflag:$0x1] =	stream.indirect.gather [hbm4b:s2+s14], $0x80, s17, s14, $0xb8;
	[tilespmem:$0x1CC00] =	vst v63  }
0x2e: {  	_ =	swait.ge [sflag:s10], $0x4000  }
0x2f: {  	[sflag:s10] =	ssyncset.done $0x0  }
0x30: {  	s17 =	sadd.s32 $0x2800, s17;
	[sflag:s10] =	ssyncadd.s32 $0xFFFFC000  }
0x31: {  	[spmem:s3] =	stream.indirect.scatter.add.f32 [tilespmem:s15], [sflag:$0x1], $0x80, s17, s14, $0xb8;
	[tilespmem:$0x1CC00] =	vst v63  }
0x32: {  	_ =	swait.ge [sflag:s10], $0x4000  }
0x33: {  	s16 =	sadd.s32 $0x1, s16;
	[sflag:s10] =	ssyncset.done $0x0  }
0x34: {  	p0 =	sne.s32 s16, s9;
	[sflag:s10] =	ssyncadd.s32 $0xFFFFC000  }
.Ltmp1:
0x35: {  	[bflag:$0x0] =	sbarrier.arrive $0xFFFF;
	(pc) =	sbr.rel @p0 .LBB2_1-.Ltmp1, $4  }
0x36: {  	[hbm:s8], [sflag:s12] =	dma.local [spmem:s13], $0x2780  }
0x37: {  	_ =	swait.ge [sflag:s10], $0x2780  }
0x38: {  	[sflag:s10] =	ssyncset.done $0x0  }
0x39: {  	[sflag:s10] =	ssyncadd.s32 $0xFFFFD880  }
0x3a: {  	_ =	sfence.sel $0x180000  }
0x3b: {  	[bflag:$0x0] =	sbarrier.arrive $0xFFFF  }
0x3c: {  	p0 =	sne.s32 s0, $0x0;
	_ =	strace $0x9000004A  }
0x3d: {  	s0 =	sadd.s32 @!p0 $0x100000, s1;
	[bflag:$0x2] =	sbarrier.arrive $0xFFFF  }
0x3e: {  	[sflag:s0] =	ssyncadd.tile.s32 @!p0 $0x1;
	_ =	shalt  }
.Lfunc_end2:
_tile_overlayer_lowered:
.L_overlay_start_2:
0x3f: {  	(tag) =	ssettag $0x2  }
0x40: {  	s0 =	rddreg [dreg:$0x0];
	s2 =	stileid.u32  }
0x41: {  	s1 =	rddreg [dreg:$0x1];
	p0 =	sne.s32 s2, $0x0  }
0x42: {  	s3 =	rddreg [dreg:$0x2];
	[bflag:$0x3] =	sbarrier.arrive $0xFFFF;
	s2 =	simm.s32 @!p0 $0x1C01  }
0x43: {  	[timem:s3], [sflag:s2] =	dma.local @!p0 [hbm:s0], s1  }
0x44: {  	s0 =	simm.s32 @!p0 $0x1  }
0x45: {  	_ =	swait.ge @!p0 [sflag:s0], s1  }
0x46: {  	s1 =	ssub.s32 @!p0 $0x0, s1;
	[sflag:s0] =	ssyncset.done @!p0 $0x0  }
0x47: {  	[sflag:s0] =	ssyncadd.s32 @!p0 s1  }
0x48: {  	[bflag:$0x3] =	sbarrier.arrive $0xFFFF  }
0x49: {  	_ =	shalt  }

// kernel: kernel.18.cloned.1.call-start
scs
__scs_entry_jumppad:
0x0: {  	(pc) =	sbr.rel $0x88, $3  }
0x1: {  	(tag) =	ssettag $0x0;
	lr =	simm.s32 $0x1  }
0x2: {  	[smem:$0x3F9B] =	sst lr;
	_ =	strace $0xD0000000  }
0x3: {  	_ = 	snop  }
0x4: {  	_ = 	snop  }
0x5: {  	_ = 	snop  }
0x6: {  	_ = 	snop  }
0x7: {  	_ = 	snop  }
__scs_overlays_trampoline_lowered:
0x8: {  	[smem:$0x3FAA] =	sst s0  }
0x9: {  	[smem:$0x3FAB] =	sst s1  }
0xa: {  	[smem:$0x3FAC] =	sst s2  }
0xb: {  	[smem:$0x3FAD] =	sst s3  }
0xc: {  	[smem:$0x3FAE] =	sst s4  }
0xd: {  	[smem:$0x3FAF] =	sst s5  }
0xe: {  	[smem:$0x3FB0] =	sst s6  }
0xf: {  	[smem:$0x3FB1] =	sst s7  }
0x10: {  	[smem:$0x3FB2] =	sst s8  }
0x11: {  	[smem:$0x3FB3] =	sst s9;
	s0 =	simm.s32 @!p0 $0x0  }
0x12: {  	s1 =	sld [smem:$0x3F99];
	s0 =	simm.s32 @p0 $0x1  }
0x13: {  	[smem:$0x3FB4] =	sst s0;
	s0 =	simm.s32 @!p1 $0x0  }
0x14: {  	s2 =	sld [smem:$0x3F98];
	s0 =	simm.s32 @p1 $0x1  }
0x15: {  	[smem:$0x3FB5] =	sst s0;
	s0 =	simm.s32 @!p2 $0x0  }
0x16: {  	s3 =	sld [smem:$0x3FDB];
	s0 =	simm.s32 @p2 $0x1  }
0x17: {  	s4 =	simm.s32 $0x1BF5;
	[smem:$0x3FB7] =	sst s0  }
0x18: {  	s0 =	sld [smem:$0x3F9A];
	_ =	swait.ge [sflag:s4], $0x0  }
0x19: {  	s7 =	sld [smem:$0x3F9B]  }
0x1a: {  	s8 =	sadd.s32 $0xFFFFE003, lr  }
0x1b: {  	s9 =	sadd.s32 $0xFFFFFEF7, lr;
	s5 =	simm.s32 $0xFFFFFFFF;
	p2 =	slt.u32 s8, $0xFFFFF086  }
0x1c: {  	p1 =	slt.u32 s9, $0xF7A;
	s5 =	simm.s32 @!p2 $0x0  }
0x1d: {  	s5 =	simm.s32 @p1 $0x1;
	p0 =	seq.s32 s7, s2  }
0x1e: {  	s7 =	smul.u32 @!p0 $0xF7A, s2;
	p2 =	seq.s32 @!p0 s5, $0x0  }
0x1f: {  	s9 =	smul.u32 $0xF7A, s1;
	s8 =	simm.s32 @!p0 $0x1BF5;
	p2 =	por !p2, p0  }
0x20: {  	[sflag:s8] =	ssyncset.s32 @!p0 $0xFFFFF086;
	s6 =	sadd.s32 @!p0 s3, s7;
	s7 =	simm.s32 @!p0 $0x108  }
0x21: {  	s3 =	sadd.s32 s3, s9;
	s6 =	sadd.s32 @!p0 $0x88, s6;
	s7 =	simm.s32 @p2 $0x1082  }
0x22: {  	[simem:s7], [sflag:s8] =	dma.local @!p0 [hbm:s6], $0xF7A  }
0x23: {  	s9 =	sor.u32 $0xD0000000, s2;
	s6 =	simm.s32 $0x108;
	_ =	swait.ge @!p0 [sflag:s8], $0x0  }
0x24: {  	s3 =	sadd.s32 $0x88, s3;
	s6 =	simm.s32 @!p1 $0x1082;
	[sflag:s4] =	ssyncset.s32 $0xFFFFF086  }
0x25: {  	[simem:s6], [sflag:s4] =	dma.local [hbm:s3], $0xF7A  }
0x26: {  	[smem:$0x3F9B] =	sst s1;
	(tag) =	ssettag s2;
	_ =	strace s9  }
0x27: {  	s1 =	sld [smem:$0x3FAB]  }
0x28: {  	s2 =	sld [smem:$0x3FAC]  }
0x29: {  	s4 =	sld [smem:$0x3FAE]  }
0x2a: {  	p0 =	seq.s32 s5, $0x0;
	s5 =	sld [smem:$0x3FAF]  }
0x2b: {  	s6 =	sld [smem:$0x3FB0]  }
0x2c: {  	s7 =	sld [smem:$0x3FB1]  }
0x2d: {  	s3 =	simm.s32 $0x108;
	s8 =	sld [smem:$0x3FB2]  }
0x2e: {  	s3 =	simm.s32 @!p0 $0x1082;
	s9 =	sld [smem:$0x3FB3]  }
0x2f: {  	lr =	sadd.s32 s0, s3;
	s0 =	sld [smem:$0x3FAA]  }
0x30: {  	s3 =	sld [smem:$0x3FAD]  }
0x31: {  	[smem:$0x3FB6] =	sst s10  }
0x32: {  	s10 =	sld [smem:$0x3FB4];
	_ =	sdelay $0x3  }
0x33: {  	p0 =	seq.s32 s10, $0x1;
	s10 =	sld [smem:$0x3FB6];
	_ =	sdelay $0x3  }
0x34: {  	[smem:$0x3FB6] =	sst s10  }
0x35: {  	s10 =	sld [smem:$0x3FB5];
	_ =	sdelay $0x3  }
0x36: {  	p1 =	seq.s32 s10, $0x1;
	s10 =	sld [smem:$0x3FB6];
	_ =	sdelay $0x3  }
0x37: {  	[smem:$0x3FB6] =	sst s10  }
0x38: {  	s10 =	sld [smem:$0x3FB7]  }
0x39: {  	_ = 	snop;
	(pc) =	sbr.ind lr, $3  }
0x3a: {  	_ = 	snop  }
0x3b: {  	_ = 	snop  }
0x3c: {  	p2 =	seq.s32 s10, $0x1;
	s10 =	sld [smem:$0x3FB6]  }
0x3d: {  	_ =	shalt  }
0x3e: {  	_ =	shalt  }
0x3f: {  	_ =	shalt  }
0x40: {  	_ =	shalt  }
0x41: {  	_ =	shalt  }
0x42: {  	_ =	shalt  }
0x43: {  	_ =	shalt  }
0x44: {  	_ =	shalt  }
0x45: {  	_ =	shalt  }
0x46: {  	_ =	shalt  }
0x47: {  	_ =	shalt  }
0x48: {  	_ =	shalt  }
0x49: {  	_ =	shalt  }
0x4a: {  	_ =	shalt  }
0x4b: {  	_ =	shalt  }
0x4c: {  	_ =	shalt  }
0x4d: {  	_ =	shalt  }
0x4e: {  	_ =	shalt  }
0x4f: {  	_ =	shalt  }
0x50: {  	_ =	shalt  }
0x51: {  	_ =	shalt  }
0x52: {  	_ =	shalt  }
0x53: {  	_ =	shalt  }
0x54: {  	_ =	shalt  }
0x55: {  	_ =	shalt  }
0x56: {  	_ =	shalt  }
0x57: {  	_ =	shalt  }
0x58: {  	_ =	shalt  }
0x59: {  	_ =	shalt  }
0x5a: {  	_ =	shalt  }
0x5b: {  	_ =	shalt  }
0x5c: {  	_ =	shalt  }
0x5d: {  	_ =	shalt  }
0x5e: {  	_ =	shalt  }
0x5f: {  	_ =	shalt  }
0x60: {  	_ =	shalt  }
0x61: {  	_ =	shalt  }
0x62: {  	_ =	shalt  }
0x63: {  	_ =	shalt  }
0x64: {  	_ =	shalt  }
0x65: {  	_ =	shalt  }
0x66: {  	_ =	shalt  }
0x67: {  	_ =	shalt  }
0x68: {  	_ =	shalt  }
0x69: {  	_ =	shalt  }
0x6a: {  	_ =	shalt  }
0x6b: {  	_ =	shalt  }
0x6c: {  	_ =	shalt  }
0x6d: {  	_ =	shalt  }
0x6e: {  	_ =	shalt  }
0x6f: {  	_ =	shalt  }
0x70: {  	_ =	shalt  }
0x71: {  	_ =	shalt  }
0x72: {  	_ =	shalt  }
0x73: {  	_ =	shalt  }
0x74: {  	_ =	shalt  }
0x75: {  	_ =	shalt  }
0x76: {  	_ =	shalt  }
0x77: {  	_ =	shalt  }
0x78: {  	_ =	shalt  }
0x79: {  	_ =	shalt  }
0x7a: {  	_ =	shalt  }
0x7b: {  	_ =	shalt  }
0x7c: {  	_ =	shalt  }
0x7d: {  	_ =	shalt  }
0x7e: {  	_ =	shalt  }
0x7f: {  	_ =	shalt  }
0x80: {  	_ =	shalt  }
0x81: {  	_ =	shalt  }
0x82: {  	_ =	shalt  }
0x83: {  	_ =	shalt  }
0x84: {  	_ =	shalt  }
0x85: {  	_ =	shalt  }
0x86: {  	_ =	shalt  }
0x87: {  	_ =	shalt  }
.Lfunc_end0:
.L_simem_size_0:
called_computation.3_lowered:
.L_overlay_start_0:
0x88: {  	s2 =	sld [smem:$0x3FD9]  }
0x89: {  	s3 =	sld [smem:$0x3FFE];
	_ =	sdelay $0x1  }
0x8a: {  	s1 =	srdreg.scid  }
0x8b: {  	s0 =	sand.u32 $0x1, s1  }
0x8c: {  	s17 =	sshll.u32 s0, $0xA;
	s2 =	sadd.s32 s3, s2  }
0x8d: {  	s2 =	sadd.s32 s2, s17  }
0x8e: {  	[smem:$0x3FC2] =	sst s2  }
0x8f: {  	_ = 	snop  }
0x90: {  	s2 =	sld [smem:$0x3FD0];
	(tm) =	ssettm $0x1  }
0x91: {  	s18 =	sld [smem:$0x3FFB];
	_ =	sdelay $0x3  }
0x92: {  	_ =	strace s18  }
0x93: {  	s3 =	sld [smem:$0x3FFC];
	_ =	sdelay $0x3  }
0x94: {  	_ =	strace s3  }
0x95: {  	s3 =	sld [smem:$0x3FFD];
	_ =	sdelay $0x3  }
0x96: {  	_ =	strace s3  }
0x97: {  	_ =	strace $0x8FFFFFFF  }
0x98: {  	s19 =	sld [smem:$0x3FDB];
	_ =	sdelay $0x1  }
0x99: {  	s4 =	simm.s32 $_scs_section_size  }
0x9a: {  	s5 =	simm.s32 $_size__tile_overlayer_lowered;
	s6 =	simm.s32 $_tile_overlayer_lowered  }
0x9b: {  	s22 =	simm.s32 $0x1BFF;
	s21 =	sshll.u32 s6, $0x1;
	s3 =	sadd.s32 s4, s19  }
0x9c: {  	s7 =	simm.s32 $0x0;
	s20 =	sshll.u32 s5, $0x1;
	s5 =	sadd.s32 s21, s3  }
0x9d: {  	[timem:s7], [sflag:s22] =	dma.local [hbm:s5], s20  }
0x9e: {  	_ =	swait.ge [sflag:s22], s20  }
0x9f: {  	s4 =	ssub.s32 $0x0, s20;
	[sflag:s22] =	ssyncset.done $0x0  }
0xa0: {  	[sflag:s22] =	ssyncadd.s32 s4;
	_ =	sdelay $0x1  }
0xa1: {  	s23 =	simm.s32 $0x1B8B  }
0xa2: {  	_ =	swait.ge [sflag:s23], $0x1  }
0xa3: {  	[sflag:s23] =	ssyncset.done $0x0  }
0xa4: {  	s25 =	simm.s32 $0x1B8E;
	s24 =	sld [smem:$0x3FFE];
	[sflag:s23] =	ssyncadd.s32 $0xFFFFFFFF  }
0xa5: {  	s26 =	simm.s32 $execute0_lowered;
	[smem:$0x3FD2] =	sst s25  }
0xa6: {  	s5 =	sshll.u32 s26, $0x1;
	_ =	strace $0x8000004F;
	[dreg:$0x1] =	wrdreg $0xFFFFFFFF  }
0xa7: {  	s28 =	simm.s32 $_size_execute0_lowered;
	s3 =	sadd.s32 s3, s5;
	[dreg:$0x0] =	wrdreg $0x0  }
0xa8: {  	s5 =	sshll.u32 s28, $0x1;
	[dreg:$0x2] =	wrdreg s3  }
0xa9: {  	[dreg:$0x3] =	wrdreg s5  }
0xaa: {  	[dreg:$0x4] =	wrdreg $0xC0  }
0xab: {  	_ =	task [dreg:s7], $0x5FFFF  }
0xac: {  	[dreg:$0x1] =	wrdreg $0xFFFFFFFF  }
0xad: {  	[dreg:$0x0] =	wrdreg $0x60  }
0xae: {  	[dreg:$0x2] =	wrdreg s2  }
0xaf: {  	[dreg:$0x3] =	wrdreg s24  }
0xb0: {  	[dreg:$0x4] =	wrdreg $0x90000  }
0xb1: {  	[dreg:$0x5] =	wrdreg $0x9  }
0xb2: {  	_ =	task.clear_ibuf [dreg:s7], $0x6FFFF;
	_ =	strace $0x9000004F  }
0xb3: {  	s29 =	simm.s32 $0x9;
	_ =	strace $0x80000051  }
0xb4: {  	_ =	swait.ge [sflag:s29], $0x1  }
0xb5: {  	[sflag:s29] =	ssyncadd.s32 $0xFFFFFFFF  }
0xb6: {  	_ =	strace $0x90000051  }
0xb7: {  	_ =	sfence  }
0xb8: {  	s30 =	sld [smem:$0x0];
	_ =	sdelay $0x2  }
0xb9: {  	s31 =	sshll.u32 s1, $0xD;
	s1 =	sshrl.u32 s1, $0x2  }
0xba: {  	s3 =	sand.u32 $0x4000, s31;
	s1 =	sadd.s32 s1, s30  }
0xbb: {  	s0 =	sor.u32 s3, s0;
	s1 =	sshll.u32 s1, $0x11  }
0xbc: {  	s0 =	sor.u32 s1, s0  }
0xbd: {  	s0 =	sadd.s32 $0x8F2B, s0  }
0xbe: {  	[sflag:s0] =	ssyncadd.remote.s32 $0x1  }
0xbf: {  	_ =	sfence.sel $0xFFFF  }
0xc0: {  	[dreg:$0x0] =	wrdreg $0xFFFFFFFF;
	(pc) =	sbr.abs _section_cstart, $3  }
0xc1: {  	[dreg:$0x1] =	wrdreg $0xFFFFFFFF  }
0xc2: {  	_ =	task.clear_ibuf [dreg:s7], $0x2FFFF;
	_ =	strace $0x9FFFFFFF  }
0xc3: {  	(tm) =	ssettm $0x7FFFFFFF  }
tec
execute0_lowered:
.L_overlay_start_1:
0x0: {  	(tag) =	ssettag $0x1  }
0x1: {  	s2 =	rddreg [dreg:$0x0]  }
0x2: {  	s6 =	rddreg [dreg:$0x1]  }
0x3: {  	s0 =	srdreg.scid;
	s3 =	rddreg [dreg:$0x2];
	s4 =	simm.s32 $0x0  }
0x4: {  	s11 =	simm.s32 $0x2800;
	s14 =	simm.s32 $0x80;
	s5 =	sand.u32 $0x1, s0  }
0x5: {  	s15 =	simm.s32 $0x5000;
	s0 =	stileid.u32;
	s8 =	smul.u32 $0x13C000, s5  }
0x6: {  	s16 =	simm.s32 $0x0;
	[smem:$0x7FF] =	sst s4;
	s9 =	smul.u32 $0x13C00, s0  }
0x7: {  	s1 =	sshll.u32 s5, $0x4;
	s30 =	ssub.s32 $0x2, s5;
	s10 =	smul.u32 $0x4F000, s0  }
0x8: {  	s5 =	sadd.s32 $0x8D400, s6;
	s12 =	sshll.u32 s0, $0x6;
	s1 =	sor.u32 s0, s1  }
0x9: {  	s31 =	sshrl.u32 s30, $0x1;
	s12 =	sor.u32 $0x1C01, s12;
	s7 =	smul.u32 $0x500, s1  }
0xa: {  	s1 =	rddreg [dreg:$0x3];
	_ =	strace $0x80000050;
	s8 =	sadd.s32 s9, s8  }
0xb: {  	s9 =	ssub.s32 s30, s31;
	s10 =	sshrl.u32 s10, $0x2;
	s8 =	sshrl.u32 s8, $0x3  }
0xc: {  	s13 =	sadd.s32 s10, s3;
	s9 =	smax.u32 s9, $0x1;
	s10 =	simm.s32 $0x1  }
0xd: {  	s7 =	sadd.s32 s7, s6;
	s8 =	sadd.s32 s8, s6;
	s13 =	sshrl.u32 s13, $0x3  }
0xe: {  	s6 =	sadd.s32 $0xC200, s7;
	s7 =	sadd.s32 $0x2000, s7;
	s8 =	sadd.s32 $0x8FC00, s8  }
.LBB2_1:
0xf: {  	[tilespmem:s4], [sflag:$0x1] =	stream.linear.gather [hbm4b:s6+s4], $0x2800, $0x38;
	[tilespmem:$0x1CC00] =	vst v63  }
0x10: {  	_ =	swait.ge [sflag:s10], $0x2800  }
0x11: {  	[sflag:s10] =	ssyncset.done $0x0  }
0x12: {  	[sflag:s10] =	ssyncadd.s32 $0xFFFFD800  }
0x13: {  	[tilespmem:s11], [sflag:$0x1] =	stream.linear.gather [hbm4b:s7+s4], $0x2800, $0x38;
	[tilespmem:$0x1CC00] =	vst v63  }
0x14: {  	_ =	swait.ge [sflag:s10], $0x2800  }
0x15: {  	[sflag:s10] =	ssyncset.done $0x0  }
0x16: {  	[sflag:s10] =	ssyncadd.s32 $0xFFFFD800  }
0x17: {  	[spmem:s13], [sflag:s12] =	dma.local [hbm:s5], $0x2780  }
0x18: {  	_ =	swait.ge [sflag:s10], $0x2780  }
0x19: {  	[sflag:s10] =	ssyncset.done $0x0  }
0x1a: {  	[sflag:s10] =	ssyncadd.s32 $0xFFFFD880  }
0x1b: {  	s17 =	simm.s32 $0x0;
	[bflag:$0x0] =	sbarrier.arrive $0xFFFF  }
0x1c: {  	[tilespmem:s15], [sflag:$0x1] =	stream.indirect.gather [hbm4b:s2+s14], $0x80, s17, s14, $0xb8;
	[tilespmem:$0x1CC00] =	vst v63  }
0x1d: {  	_ =	swait.ge [sflag:s10], $0x4000  }
0x1e: {  	[sflag:s10] =	ssyncset.done $0x0  }
0x1f: {  	s31 =	simm.s32 $0x2800;
	[sflag:s10] =	ssyncadd.s32 $0xFFFFC000  }
0x20: {  	[spmem:s3] =	stream.indirect.scatter.add.f32 [tilespmem:s15], [sflag:$0x1], $0x80, s31, s14, $0xb8;
	[tilespmem:$0x1CC00] =	vst v63  }
0x21: {  	_ =	swait.ge [sflag:s10], $0x4000  }
0x22: {  	s18 =	simm.s32 $0x400;
	s17 =	simm.s32 $0x200;
	[sflag:s10] =	ssyncset.done $0x0  }
.LBB2_2:
0x23: {  	s19 =	sshra.s32 s17, $0x2  }
0x24: {  	[sflag:s10] =	ssyncadd.s32 $0xFFFFC000;
	s17 =	smov.u32 s18;
	s20 =	sadd.s32 $0x200, s18  }
0x25: {  	[tilespmem:s15], [sflag:$0x1] =	stream.indirect.gather [hbm4b:s2+s14], $0x80, s19, s14, $0xb8;
	[tilespmem:$0x1CC00] =	vst v63  }
0x26: {  	p0 =	sne.s32 s18, $0x9E00;
	_ =	swait.ge [sflag:s10], $0x4000  }
.Ltmp0:
0x27: {  	[sflag:s10] =	ssyncset.done $0x0;
	(pc) =	sbr.rel @p0 .LBB2_2-.Ltmp0, $4  }
0x28: {  	s18 =	sadd.s32 $0x2800, s19;
	[sflag:s10] =	ssyncadd.s32 $0xFFFFC000  }
0x29: {  	[spmem:s3] =	stream.indirect.scatter.add.f32 [tilespmem:s15], [sflag:$0x1], $0x80, s18, s14, $0xb8;
	[tilespmem:$0x1CC00] =	vst v63  }
0x2a: {  	_ =	swait.ge [sflag:s10], $0x4000  }
0x2b: {  	s18 =	smov.u32 s20;
	[sflag:s10] =	ssyncset.done $0x0  }
0x2c: {  	s17 =	sshra.s32 s17, $0x2;
	[sflag:s10] =	ssyncadd.s32 $0xFFFFC000  }
0x2d: {  	[tilespmem:s15], [sflag:$0x1] =	stream.indirect.gather [hbm4b:s2+s14], $0x80, s17, s14, $0xb8;
	[tilespmem:$0x1CC00] =	vst v63  }
0x2e: {  	_ =	swait.ge [sflag:s10], $0x4000  }
0x2f: {  	[sflag:s10] =	ssyncset.done $0x0  }
0x30: {  	s17 =	sadd.s32 $0x2800, s17;
	[sflag:s10] =	ssyncadd.s32 $0xFFFFC000  }
0x31: {  	[spmem:s3] =	stream.indirect.scatter.add.f32 [tilespmem:s15], [sflag:$0x1], $0x80, s17, s14, $0xb8;
	[tilespmem:$0x1CC00] =	vst v63  }
0x32: {  	_ =	swait.ge [sflag:s10], $0x4000  }
0x33: {  	s16 =	sadd.s32 $0x1, s16;
	[sflag:s10] =	ssyncset.done $0x0  }
0x34: {  	p0 =	sne.s32 s16, s9;
	[sflag:s10] =	ssyncadd.s32 $0xFFFFC000  }
.Ltmp1:
0x35: {  	[bflag:$0x0] =	sbarrier.arrive $0xFFFF;
	(pc) =	sbr.rel @p0 .LBB2_1-.Ltmp1, $4  }
0x36: {  	[hbm:s8], [sflag:s12] =	dma.local [spmem:s13], $0x2780  }
0x37: {  	_ =	swait.ge [sflag:s10], $0x2780  }
0x38: {  	[sflag:s10] =	ssyncset.done $0x0  }
0x39: {  	[sflag:s10] =	ssyncadd.s32 $0xFFFFD880  }
0x3a: {  	_ =	sfence.sel $0x180000  }
0x3b: {  	[bflag:$0x0] =	sbarrier.arrive $0xFFFF  }
0x3c: {  	p0 =	sne.s32 s0, $0x0;
	_ =	strace $0x90000050  }
0x3d: {  	s0 =	sadd.s32 @!p0 $0x100000, s1;
	[bflag:$0x2] =	sbarrier.arrive $0xFFFF  }
0x3e: {  	[sflag:s0] =	ssyncadd.tile.s32 @!p0 $0x1;
	_ =	shalt  }
.Lfunc_end2:
_tile_overlayer_lowered:
.L_overlay_start_2:
0x3f: {  	(tag) =	ssettag $0x2  }
0x40: {  	s0 =	rddreg [dreg:$0x0];
	s2 =	stileid.u32  }
0x41: {  	s1 =	rddreg [dreg:$0x1];
	p0 =	sne.s32 s2, $0x0  }
0x42: {  	s3 =	rddreg [dreg:$0x2];
	[bflag:$0x3] =	sbarrier.arrive $0xFFFF;
	s2 =	simm.s32 @!p0 $0x1C01  }
0x43: {  	[timem:s3], [sflag:s2] =	dma.local @!p0 [hbm:s0], s1  }
0x44: {  	s0 =	simm.s32 @!p0 $0x1  }
0x45: {  	_ =	swait.ge @!p0 [sflag:s0], s1  }
0x46: {  	s1 =	ssub.s32 @!p0 $0x0, s1;
	[sflag:s0] =	ssyncset.done @!p0 $0x0  }
0x47: {  	[sflag:s0] =	ssyncadd.s32 @!p0 s1  }
0x48: {  	[bflag:$0x3] =	sbarrier.arrive $0xFFFF  }
0x49: {  	_ =	shalt  }

// kernel: kernel.9.cloned.1.call-start
scs
__scs_entry_jumppad:
0x0: {  	(pc) =	sbr.rel $0x88, $3  }
0x1: {  	(tag) =	ssettag $0x0;
	lr =	simm.s32 $0x1  }
0x2: {  	[smem:$0x3F9B] =	sst lr;
	_ =	strace $0xD0000000  }
0x3: {  	_ = 	snop  }
0x4: {  	_ = 	snop  }
0x5: {  	_ = 	snop  }
0x6: {  	_ = 	snop  }
0x7: {  	_ = 	snop  }
__scs_overlays_trampoline_lowered:
0x8: {  	[smem:$0x3FAA] =	sst s0  }
0x9: {  	[smem:$0x3FAB] =	sst s1  }
0xa: {  	[smem:$0x3FAC] =	sst s2  }
0xb: {  	[smem:$0x3FAD] =	sst s3  }
0xc: {  	[smem:$0x3FAE] =	sst s4  }
0xd: {  	[smem:$0x3FAF] =	sst s5  }
0xe: {  	[smem:$0x3FB0] =	sst s6  }
0xf: {  	[smem:$0x3FB1] =	sst s7  }
0x10: {  	[smem:$0x3FB2] =	sst s8  }
0x11: {  	[smem:$0x3FB3] =	sst s9;
	s0 =	simm.s32 @!p0 $0x0  }
0x12: {  	s1 =	sld [smem:$0x3F99];
	s0 =	simm.s32 @p0 $0x1  }
0x13: {  	[smem:$0x3FB4] =	sst s0;
	s0 =	simm.s32 @!p1 $0x0  }
0x14: {  	s2 =	sld [smem:$0x3F98];
	s0 =	simm.s32 @p1 $0x1  }
0x15: {  	[smem:$0x3FB5] =	sst s0;
	s0 =	simm.s32 @!p2 $0x0  }
0x16: {  	s3 =	sld [smem:$0x3FDB];
	s0 =	simm.s32 @p2 $0x1  }
0x17: {  	s4 =	simm.s32 $0x1BF5;
	[smem:$0x3FB7] =	sst s0  }
0x18: {  	s0 =	sld [smem:$0x3F9A];
	_ =	swait.ge [sflag:s4], $0x0  }
0x19: {  	s7 =	sld [smem:$0x3F9B]  }
0x1a: {  	s8 =	sadd.s32 $0xFFFFE003, lr  }
0x1b: {  	s9 =	sadd.s32 $0xFFFFFEF7, lr;
	s5 =	simm.s32 $0xFFFFFFFF;
	p2 =	slt.u32 s8, $0xFFFFF086  }
0x1c: {  	p1 =	slt.u32 s9, $0xF7A;
	s5 =	simm.s32 @!p2 $0x0  }
0x1d: {  	s5 =	simm.s32 @p1 $0x1;
	p0 =	seq.s32 s7, s2  }
0x1e: {  	s7 =	smul.u32 @!p0 $0xF7A, s2;
	p2 =	seq.s32 @!p0 s5, $0x0  }
0x1f: {  	s9 =	smul.u32 $0xF7A, s1;
	s8 =	simm.s32 @!p0 $0x1BF5;
	p2 =	por !p2, p0  }
0x20: {  	[sflag:s8] =	ssyncset.s32 @!p0 $0xFFFFF086;
	s6 =	sadd.s32 @!p0 s3, s7;
	s7 =	simm.s32 @!p0 $0x108  }
0x21: {  	s3 =	sadd.s32 s3, s9;
	s6 =	sadd.s32 @!p0 $0x88, s6;
	s7 =	simm.s32 @p2 $0x1082  }
0x22: {  	[simem:s7], [sflag:s8] =	dma.local @!p0 [hbm:s6], $0xF7A  }
0x23: {  	s9 =	sor.u32 $0xD0000000, s2;
	s6 =	simm.s32 $0x108;
	_ =	swait.ge @!p0 [sflag:s8], $0x0  }
0x24: {  	s3 =	sadd.s32 $0x88, s3;
	s6 =	simm.s32 @!p1 $0x1082;
	[sflag:s4] =	ssyncset.s32 $0xFFFFF086  }
0x25: {  	[simem:s6], [sflag:s4] =	dma.local [hbm:s3], $0xF7A  }
0x26: {  	[smem:$0x3F9B] =	sst s1;
	(tag) =	ssettag s2;
	_ =	strace s9  }
0x27: {  	s1 =	sld [smem:$0x3FAB]  }
0x28: {  	s2 =	sld [smem:$0x3FAC]  }
0x29: {  	s4 =	sld [smem:$0x3FAE]  }
0x2a: {  	p0 =	seq.s32 s5, $0x0;
	s5 =	sld [smem:$0x3FAF]  }
0x2b: {  	s6 =	sld [smem:$0x3FB0]  }
0x2c: {  	s7 =	sld [smem:$0x3FB1]  }
0x2d: {  	s3 =	simm.s32 $0x108;
	s8 =	sld [smem:$0x3FB2]  }
0x2e: {  	s3 =	simm.s32 @!p0 $0x1082;
	s9 =	sld [smem:$0x3FB3]  }
0x2f: {  	lr =	sadd.s32 s0, s3;
	s0 =	sld [smem:$0x3FAA]  }
0x30: {  	s3 =	sld [smem:$0x3FAD]  }
0x31: {  	[smem:$0x3FB6] =	sst s10  }
0x32: {  	s10 =	sld [smem:$0x3FB4];
	_ =	sdelay $0x3  }
0x33: {  	p0 =	seq.s32 s10, $0x1;
	s10 =	sld [smem:$0x3FB6];
	_ =	sdelay $0x3  }
0x34: {  	[smem:$0x3FB6] =	sst s10  }
0x35: {  	s10 =	sld [smem:$0x3FB5];
	_ =	sdelay $0x3  }
0x36: {  	p1 =	seq.s32 s10, $0x1;
	s10 =	sld [smem:$0x3FB6];
	_ =	sdelay $0x3  }
0x37: {  	[smem:$0x3FB6] =	sst s10  }
0x38: {  	s10 =	sld [smem:$0x3FB7]  }
0x39: {  	_ = 	snop;
	(pc) =	sbr.ind lr, $3  }
0x3a: {  	_ = 	snop  }
0x3b: {  	_ = 	snop  }
0x3c: {  	p2 =	seq.s32 s10, $0x1;
	s10 =	sld [smem:$0x3FB6]  }
0x3d: {  	_ =	shalt  }
0x3e: {  	_ =	shalt  }
0x3f: {  	_ =	shalt  }
0x40: {  	_ =	shalt  }
0x41: {  	_ =	shalt  }
0x42: {  	_ =	shalt  }
0x43: {  	_ =	shalt  }
0x44: {  	_ =	shalt  }
0x45: {  	_ =	shalt  }
0x46: {  	_ =	shalt  }
0x47: {  	_ =	shalt  }
0x48: {  	_ =	shalt  }
0x49: {  	_ =	shalt  }
0x4a: {  	_ =	shalt  }
0x4b: {  	_ =	shalt  }
0x4c: {  	_ =	shalt  }
0x4d: {  	_ =	shalt  }
0x4e: {  	_ =	shalt  }
0x4f: {  	_ =	shalt  }
0x50: {  	_ =	shalt  }
0x51: {  	_ =	shalt  }
0x52: {  	_ =	shalt  }
0x53: {  	_ =	shalt  }
0x54: {  	_ =	shalt  }
0x55: {  	_ =	shalt  }
0x56: {  	_ =	shalt  }
0x57: {  	_ =	shalt  }
0x58: {  	_ =	shalt  }
0x59: {  	_ =	shalt  }
0x5a: {  	_ =	shalt  }
0x5b: {  	_ =	shalt  }
0x5c: {  	_ =	shalt  }
0x5d: {  	_ =	shalt  }
0x5e: {  	_ =	shalt  }
0x5f: {  	_ =	shalt  }
0x60: {  	_ =	shalt  }
0x61: {  	_ =	shalt  }
0x62: {  	_ =	shalt  }
0x63: {  	_ =	shalt  }
0x64: {  	_ =	shalt  }
0x65: {  	_ =	shalt  }
0x66: {  	_ =	shalt  }
0x67: {  	_ =	shalt  }
0x68: {  	_ =	shalt  }
0x69: {  	_ =	shalt  }
0x6a: {  	_ =	shalt  }
0x6b: {  	_ =	shalt  }
0x6c: {  	_ =	shalt  }
0x6d: {  	_ =	shalt  }
0x6e: {  	_ =	shalt  }
0x6f: {  	_ =	shalt  }
0x70: {  	_ =	shalt  }
0x71: {  	_ =	shalt  }
0x72: {  	_ =	shalt  }
0x73: {  	_ =	shalt  }
0x74: {  	_ =	shalt  }
0x75: {  	_ =	shalt  }
0x76: {  	_ =	shalt  }
0x77: {  	_ =	shalt  }
0x78: {  	_ =	shalt  }
0x79: {  	_ =	shalt  }
0x7a: {  	_ =	shalt  }
0x7b: {  	_ =	shalt  }
0x7c: {  	_ =	shalt  }
0x7d: {  	_ =	shalt  }
0x7e: {  	_ =	shalt  }
0x7f: {  	_ =	shalt  }
0x80: {  	_ =	shalt  }
0x81: {  	_ =	shalt  }
0x82: {  	_ =	shalt  }
0x83: {  	_ =	shalt  }
0x84: {  	_ =	shalt  }
0x85: {  	_ =	shalt  }
0x86: {  	_ =	shalt  }
0x87: {  	_ =	shalt  }
.Lfunc_end0:
.L_simem_size_0:
called_computation_lowered:
.L_overlay_start_0:
0x88: {  	s2 =	sld [smem:$0x3FD9]  }
0x89: {  	s3 =	sld [smem:$0x3FFE];
	_ =	sdelay $0x1  }
0x8a: {  	s1 =	srdreg.scid  }
0x8b: {  	s0 =	sand.u32 $0x1, s1  }
0x8c: {  	s17 =	sshll.u32 s0, $0xA;
	s2 =	sadd.s32 s3, s2  }
0x8d: {  	s2 =	sadd.s32 s2, s17  }
0x8e: {  	[smem:$0x3FC2] =	sst s2  }
0x8f: {  	_ = 	snop  }
0x90: {  	s2 =	sld [smem:$0x3FD0];
	(tm) =	ssettm $0x1  }
0x91: {  	s18 =	sld [smem:$0x3FFB];
	_ =	sdelay $0x3  }
0x92: {  	_ =	strace s18  }
0x93: {  	s3 =	sld [smem:$0x3FFC];
	_ =	sdelay $0x3  }
0x94: {  	_ =	strace s3  }
0x95: {  	s3 =	sld [smem:$0x3FFD];
	_ =	sdelay $0x3  }
0x96: {  	_ =	strace s3  }
0x97: {  	_ =	strace $0x8FFFFFFF  }
0x98: {  	s19 =	sld [smem:$0x3FDB];
	_ =	sdelay $0x1  }
0x99: {  	s4 =	simm.s32 $_scs_section_size  }
0x9a: {  	s5 =	simm.s32 $_size__tile_overlayer_lowered;
	s6 =	simm.s32 $_tile_overlayer_lowered  }
0x9b: {  	s22 =	simm.s32 $0x1BFF;
	s21 =	sshll.u32 s6, $0x1;
	s3 =	sadd.s32 s4, s19  }
0x9c: {  	s7 =	simm.s32 $0x0;
	s20 =	sshll.u32 s5, $0x1;
	s5 =	sadd.s32 s21, s3  }
0x9d: {  	[timem:s7], [sflag:s22] =	dma.local [hbm:s5], s20  }
0x9e: {  	_ =	swait.ge [sflag:s22], s20  }
0x9f: {  	s4 =	ssub.s32 $0x0, s20;
	[sflag:s22] =	ssyncset.done $0x0  }
0xa0: {  	[sflag:s22] =	ssyncadd.s32 s4;
	_ =	sdelay $0x1  }
0xa1: {  	s23 =	simm.s32 $0x1B8B  }
0xa2: {  	_ =	swait.ge [sflag:s23], $0x1  }
0xa3: {  	[sflag:s23] =	ssyncset.done $0x0  }
0xa4: {  	s25 =	simm.s32 $0x1B8E;
	s24 =	sld [smem:$0x3FFE];
	[sflag:s23] =	ssyncadd.s32 $0xFFFFFFFF  }
0xa5: {  	s26 =	simm.s32 $execute0_lowered;
	[smem:$0x3FD2] =	sst s25  }
0xa6: {  	s5 =	sshll.u32 s26, $0x1;
	_ =	strace $0x80000046;
	[dreg:$0x1] =	wrdreg $0xFFFFFFFF  }
0xa7: {  	s28 =	simm.s32 $_size_execute0_lowered;
	s3 =	sadd.s32 s3, s5;
	[dreg:$0x0] =	wrdreg $0x0  }
0xa8: {  	s5 =	sshll.u32 s28, $0x1;
	[dreg:$0x2] =	wrdreg s3  }
0xa9: {  	[dreg:$0x3] =	wrdreg s5  }
0xaa: {  	[dreg:$0x4] =	wrdreg $0xC0  }
0xab: {  	_ =	task [dreg:s7], $0x5FFFF  }
0xac: {  	[dreg:$0x1] =	wrdreg $0xFFFFFFFF  }
0xad: {  	[dreg:$0x0] =	wrdreg $0x60  }
0xae: {  	[dreg:$0x2] =	wrdreg s24  }
0xaf: {  	[dreg:$0x3] =	wrdreg s2  }
0xb0: {  	[dreg:$0x4] =	wrdreg $0x28800  }
0xb1: {  	[dreg:$0x5] =	wrdreg $0x9  }
0xb2: {  	_ =	task.clear_ibuf [dreg:s7], $0x6FFFF;
	_ =	strace $0x90000046  }
0xb3: {  	s29 =	simm.s32 $0x9;
	_ =	strace $0x80000048  }
0xb4: {  	_ =	swait.ge [sflag:s29], $0x1  }
0xb5: {  	[sflag:s29] =	ssyncadd.s32 $0xFFFFFFFF  }
0xb6: {  	_ =	strace $0x90000048  }
0xb7: {  	_ =	sfence  }
0xb8: {  	s30 =	sld [smem:$0x0];
	_ =	sdelay $0x2  }
0xb9: {  	s31 =	sshll.u32 s1, $0xD;
	s1 =	sshrl.u32 s1, $0x2  }
0xba: {  	s3 =	sand.u32 $0x4000, s31;
	s1 =	sadd.s32 s1, s30  }
0xbb: {  	s0 =	sor.u32 s3, s0;
	s1 =	sshll.u32 s1, $0x11  }
0xbc: {  	s0 =	sor.u32 s1, s0  }
0xbd: {  	s0 =	sadd.s32 $0x8F2B, s0  }
0xbe: {  	[sflag:s0] =	ssyncadd.remote.s32 $0x1  }
0xbf: {  	_ =	sfence.sel $0xFFFF  }
0xc0: {  	[dreg:$0x0] =	wrdreg $0xFFFFFFFF;
	(pc) =	sbr.abs _section_cstart, $3  }
0xc1: {  	[dreg:$0x1] =	wrdreg $0xFFFFFFFF  }
0xc2: {  	_ =	task.clear_ibuf [dreg:s7], $0x2FFFF;
	_ =	strace $0x9FFFFFFF  }
0xc3: {  	(tm) =	ssettm $0x7FFFFFFF  }
tec
execute0_lowered:
.L_overlay_start_1:
0x0: {  	(tag) =	ssettag $0x1  }
0x1: {  	s5 =	rddreg [dreg:$0x0]  }
0x2: {  	s0 =	srdreg.scid;
	s6 =	rddreg [dreg:$0x1]  }
0x3: {  	s2 =	rddreg [dreg:$0x2];
	s3 =	simm.s32 $0x0;
	s12 =	simm.s32 $0x2800  }
0x4: {  	s13 =	simm.s32 $0x0;
	s4 =	sand.u32 $0x1, s0;
	s0 =	stileid.u32  }
0x5: {  	[smem:$0x7FF] =	sst s3;
	s1 =	sshll.u32 s4, $0x4;
	s8 =	smul.u32 $0x280, s0  }
0x6: {  	s9 =	ssub.s32 $0x2, s4;
	s10 =	smul.u32 $0x2800, s4;
	s4 =	sadd.s32 $0xC000, s5  }
0x7: {  	s31 =	sshll.u32 s0, $0x6;
	s1 =	sor.u32 s0, s1;
	s11 =	sshrl.u32 s9, $0x1  }
0x8: {  	s7 =	smul.u32 $0x500, s1;
	s1 =	rddreg [dreg:$0x3];
	_ =	strace $0x80000047  }
0x9: {  	s9 =	ssub.s32 s9, s11;
	s10 =	sadd.s32 s8, s10;
	s29 =	sadd.s32 s8, s2  }
0xa: {  	s8 =	simm.s32 $0x1;
	s11 =	simm.s32 $0x80;
	s30 =	sshrl.u32 s10, $0x3  }
0xb: {  	s10 =	sshrl.u32 s29, $0x3;
	s7 =	sadd.s32 s7, s5;
	s6 =	sadd.s32 s6, s30  }
0xc: {  	v0 =	vimm.f32 $1.000000000e+00;
	s5 =	sadd.s32 $0x2000, s7;
	s7 =	smax.u32 s9, $0x1;
	s9 =	sor.u32 $0x1C01, s31  }
.LBB2_1:
0xd: {  	[tilespmem:s3], [sflag:$0x1] =	stream.linear.gather [hbm4b:s5+s3], $0x2800, $0x38;
	[tilespmem:$0x2B00] =	vst v63  }
0xe: {  	_ =	swait.ge [sflag:s8], $0x2800  }
0xf: {  	[sflag:s8] =	ssyncset.done $0x0  }
0x10: {  	[sflag:s8] =	ssyncadd.s32 $0xFFFFD800  }
0x11: {  	[tilespmem:$0x2800] =	vst v0  }
0x12: {  	[tilespmem:$0x2810] =	vst v0  }
0x13: {  	[tilespmem:$0x2820] =	vst v0  }
0x14: {  	[tilespmem:$0x2830] =	vst v0  }
0x15: {  	[tilespmem:$0x2840] =	vst v0  }
0x16: {  	[tilespmem:$0x2850] =	vst v0  }
0x17: {  	[tilespmem:$0x2860] =	vst v0  }
0x18: {  	[tilespmem:$0x2870] =	vst v0  }
0x19: {  	[spmem:s10], [sflag:s9] =	dma.local [hbm:s4], $0x50  }
0x1a: {  	_ =	swait.ge [sflag:s8], $0x50  }
0x1b: {  	[sflag:s8] =	ssyncset.done $0x0  }
0x1c: {  	[sflag:s8] =	ssyncadd.s32 $0xFFFFFFB0  }
0x1d: {  	s14 =	simm.s32 $0x0;
	[bflag:$0x0] =	sbarrier.arrive $0xFFFF  }
0x1e: {  	[spmem:s2] =	stream.indirect.scatter.add.f32 [tilespmem:s12], [sflag:$0x1], $0x1, s14, s11, $0xb8;
	[tilespmem:$0x2B00] =	vst v63  }
0x1f: {  	_ =	swait.ge [sflag:s8], $0x80  }
0x20: {  	s14 =	simm.s32 $0x200;
	[sflag:s8] =	ssyncset.done $0x0  }
.LBB2_2:
0x21: {  	s15 =	sshra.s32 s14, $0x2;
	[sflag:s8] =	ssyncadd.s32 $0xFFFFFF80;
	p0 =	sne.s32 s14, $0x9E00  }
0x22: {  	[spmem:s2] =	stream.indirect.scatter.add.f32 [tilespmem:s12], [sflag:$0x1], $0x1, s15, s11, $0xb8;
	[tilespmem:$0x2B00] =	vst v63  }
.Ltmp0:
0x23: {  	_ = 	snop;
	(pc) =	sbr.rel @p0 .LBB2_2-.Ltmp0, $4  }
0x24: {  	_ = 	snop  }
0x25: {  	s14 =	sadd.s32 $0x200, s14  }
0x26: {  	_ =	swait.ge [sflag:s8], $0x80  }
0x27: {  	[sflag:s8] =	ssyncset.done $0x0  }
0x28: {  	s13 =	sadd.s32 $0x1, s13  }
0x29: {  	[sflag:s8] =	ssyncadd.s32 $0xFFFFFF80;
	p0 =	sne.s32 s13, s7  }
.Ltmp1:
0x2a: {  	[bflag:$0x0] =	sbarrier.arrive $0xFFFF;
	(pc) =	sbr.rel @p0 .LBB2_1-.Ltmp1, $4  }
0x2b: {  	[hbm:s6], [sflag:s9] =	dma.local [spmem:s10], $0x50  }
0x2c: {  	_ =	swait.ge [sflag:s8], $0x50  }
0x2d: {  	[sflag:s8] =	ssyncset.done $0x0  }
0x2e: {  	[sflag:s8] =	ssyncadd.s32 $0xFFFFFFB0  }
0x2f: {  	_ =	sfence.sel $0x180000  }
0x30: {  	[bflag:$0x0] =	sbarrier.arrive $0xFFFF  }
0x31: {  	p0 =	sne.s32 s0, $0x0;
	_ =	strace $0x90000047  }
0x32: {  	s0 =	sadd.s32 @!p0 $0x100000, s1;
	[bflag:$0x2] =	sbarrier.arrive $0xFFFF  }
0x33: {  	[sflag:s0] =	ssyncadd.tile.s32 @!p0 $0x1;
	_ =	shalt  }
.Lfunc_end2:
_tile_overlayer_lowered:
.L_overlay_start_2:
0x34: {  	(tag) =	ssettag $0x2  }
0x35: {  	s0 =	rddreg [dreg:$0x0];
	s2 =	stileid.u32  }
0x36: {  	s1 =	rddreg [dreg:$0x1];
	p0 =	sne.s32 s2, $0x0  }
0x37: {  	s3 =	rddreg [dreg:$0x2];
	[bflag:$0x3] =	sbarrier.arrive $0xFFFF;
	s2 =	simm.s32 @!p0 $0x1C01  }
0x38: {  	[timem:s3], [sflag:s2] =	dma.local @!p0 [hbm:s0], s1  }
0x39: {  	s0 =	simm.s32 @!p0 $0x1  }
0x3a: {  	_ =	swait.ge @!p0 [sflag:s0], s1  }
0x3b: {  	s1 =	ssub.s32 @!p0 $0x0, s1;
	[sflag:s0] =	ssyncset.done @!p0 $0x0  }
0x3c: {  	[sflag:s0] =	ssyncadd.s32 @!p0 s1  }
0x3d: {  	[bflag:$0x3] =	sbarrier.arrive $0xFFFF  }
0x3e: {  	_ =	shalt  }

</sc_bundles>
